<compile_context>
chip_gen: v7x
topology: tpu7x:2x2x1
jax: 0.10.2.dev20260603
libtpu: 0.0.44.dev20260713+nightly
codegen_flags: <defaults>
</compile_context>

<pallas_src>
import jax
import jax.numpy as jnp
from jax import lax
from jax.experimental import pallas as pl
from jax.experimental.pallas import tpu as pltpu
from jax.experimental.pallas import tpu_sc as plsc

D = 16
NB = 16384
NT = 200
NW = 32
BW = NB // NW
NBT = BW // 128
HT = NBT * 1024
TSTRIDE = 2 * (NB // 128) * 8 * 128
FSTRIDE = (NB // 128) * 8 * 128


def _embed_body(table_hbm, idx_hbm, out_hbm,
                idx0, idx1, rows0, rows1, rt0, rt1,
                g0, g1, o0, o1, i0, i1):
    wid = lax.axis_index("s") * 2 + lax.axis_index("c")
    bbase = wid * BW
    iot = lax.iota(jnp.int32, 16)
    cvec = (iot // 8) * HT + (iot % 8) * 128
    idx_b = [idx0, idx1]
    rows_b = [rows0, rows1]
    rt_b = [rt0, rt1]
    g_b = [g0, g1]
    o_b = [o0, o1]
    i_b = [i0, i1]

    def idx_copy(t, p, start):
        src = idx_hbm.at[pl.ds(t * NB + bbase, BW)]
        if start:
            pltpu.async_copy(src, idx_b[p], i_b[p])
        else:
            pltpu.make_async_copy(src, idx_b[p], i_b[p]).wait()

    def out_copy(t, p, start):
        obase = t * TSTRIDE + wid * HT
        src0, src1 = rt_b[p].at[pl.ds(0, HT)], rt_b[p].at[pl.ds(HT, HT)]
        dst0 = out_hbm.at[pl.ds(obase, HT)]
        dst1 = out_hbm.at[pl.ds(obase + FSTRIDE, HT)]
        if start:
            pltpu.async_copy(src0, dst0, o_b[p])
            pltpu.async_copy(src1, dst1, o_b[p])
        else:
            pltpu.make_async_copy(src0, dst0, o_b[p]).wait()
            pltpu.make_async_copy(src1, dst1, o_b[p]).wait()

    pltpu.sync_copy(idx_hbm.at[pl.ds(bbase, BW)], idx0)
    pltpu.async_copy(table_hbm.at[idx0], rows0, g0)
    idx_copy(1, 1, start=True)

    def step(t, p, q):
        @pl.when(t < NT - 1)
        def _prefetch():
            idx_copy(t + 1, q, start=False)
            pltpu.async_copy(table_hbm.at[idx_b[q]], rows_b[q], g_b[q])

        pltpu.make_async_copy(table_hbm.at[idx_b[p]], rows_b[p], g_b[p]).wait()

        @pl.when(t < NT - 2)
        def _iprefetch():
            idx_copy(t + 2, p, start=True)

        @pl.when(t >= 2)
        def _drain():
            out_copy(t - 2, p, start=False)

        @plsc.parallel_loop(0, BW // 16, unroll=2)
        def _transpose(g):
            idxbase = cvec + ((g // 8) * 1024 + (g % 8) * 16)
            rbase = g * 16
            vs = [rows_b[p][rbase + j] for j in range(16)]
            for j in range(16):
                plsc.store_scatter(rt_b[p], [idxbase + j], vs[j])

        out_copy(t, p, start=True)

    def per_i(i, carry):
        step(2 * i, 0, 1)
        step(2 * i + 1, 1, 0)
        return carry

    lax.fori_loop(0, NT // 2, per_i, 0)

    out_copy(NT - 2, (NT - 2) % 2, start=False)
    out_copy(NT - 1, (NT - 1) % 2, start=False)


@jax.jit
def kernel(x, table):
    idx = x.T.reshape(-1).astype(jnp.int32)
    mesh = plsc.VectorSubcoreMesh(core_axis_name="c", subcore_axis_name="s")
    out = pl.kernel(
        _embed_body,
        out_type=jax.ShapeDtypeStruct((NT * TSTRIDE,), jnp.float32),
        mesh=mesh,
        scratch_types=[
            pltpu.VMEM((BW,), jnp.int32),
            pltpu.VMEM((BW,), jnp.int32),
            pltpu.VMEM((BW, D), jnp.float32),
            pltpu.VMEM((BW, D), jnp.float32),
            pltpu.VMEM((2 * HT,), jnp.float32),
            pltpu.VMEM((2 * HT,), jnp.float32),
            pltpu.SemaphoreType.DMA,
            pltpu.SemaphoreType.DMA,
            pltpu.SemaphoreType.DMA,
            pltpu.SemaphoreType.DMA,
            pltpu.SemaphoreType.DMA,
            pltpu.SemaphoreType.DMA,
        ],
        compiler_params=pltpu.CompilerParams(
            use_tc_tiling_on_sc=False, needs_layout_passes=False),
    )(table, idx)
    out = out.reshape(NT, 2, NB // 128, 8, 128)
    return out.transpose(2, 4, 0, 1, 3).reshape(NB, NT, D)

# --- scband reference (transcript-rebuilt; emitter-appended) ---
"""Pipeline reference for scband-embed-13357348290783 (READ-ONLY COPY).

The authoritative reference and input builder live on the scoring server;
editing this copy changes nothing except your own understanding.
"""

import jax, jax.numpy as jnp
import numpy as np

VOCAB = 1000000 + 1
EMBED_DIM = 16

def setup_inputs(seed: int = 0) -> dict:
    key = jax.random.key(seed)
    k1, k2 = jax.random.split(key)
    x = jax.random.randint(k1, (16384, 200), 0, 1000001, dtype=jnp.int64 if jax.config.jax_enable_x64 else jnp.int32)
    table = jax.random.normal(k2, (VOCAB, EMBED_DIM), dtype=jnp.float32)
    return {"x": x, "table": table}

def reference(x, table):
    # nn.Embedding forward: gather rows of the embedding table
    return jnp.take(table, x, axis=0)

if __name__ == "__main__":
    import jax
    _d = setup_inputs()
    print(jax.jit(kernel)(*tuple(_d.values())))

</pallas_src>

<mosaic_0001>
#map = affine_map<(d0, d1) -> (0, 0)>
#map1 = affine_map<(d0, d1) -> (0)>
module attributes {stable_mosaic.version = 14 : i64} {
  func.func @_embed_body(%arg0: i32, %arg1: i32, %arg2: memref<1000001x16xf32, #tpu.memory_space<hbm>>, %arg3: memref<3276800xi32, #tpu.memory_space<hbm>>, %arg4: memref<52428800xf32, #tpu.memory_space<hbm>>, %arg5: memref<512xi32, #tpu.memory_space<vmem>>, %arg6: memref<512xi32, #tpu.memory_space<vmem>>, %arg7: memref<512x16xf32, #tpu.memory_space<vmem>>, %arg8: memref<512x16xf32, #tpu.memory_space<vmem>>, %arg9: memref<8192xf32, #tpu.memory_space<vmem>>, %arg10: memref<8192xf32, #tpu.memory_space<vmem>>, %arg11: memref<!tpu.dma_semaphore, #tpu.memory_space<semaphore_mem>>, %arg12: memref<!tpu.dma_semaphore, #tpu.memory_space<semaphore_mem>>, %arg13: memref<!tpu.dma_semaphore, #tpu.memory_space<semaphore_mem>>, %arg14: memref<!tpu.dma_semaphore, #tpu.memory_space<semaphore_mem>>, %arg15: memref<!tpu.dma_semaphore, #tpu.memory_space<semaphore_mem>>, %arg16: memref<!tpu.dma_semaphore, #tpu.memory_space<semaphore_mem>>) attributes {dimension_semantics = [#tpu.dimension_semantics<core_parallel>, #tpu.dimension_semantics<subcore_parallel>], iteration_bounds = array<i64: 2, 16>, scalar_prefetch = 0 : i64, scratch_operands = 12 : i64, tpu.core_type = #tpu.core_type<sc_vector_subcore>, window_params = [{transform_indices = #map}, {transform_indices = #map1}, {transform_indices = #map1}]} {
    %mul3A = arith.constant 2 : i32
    %mul3A_0 = arith.muli %arg1, %mul3A : i32
    %add3A = arith.addi %mul3A_0, %arg0 : i32
    %mul3A_1 = arith.constant 512 : i32
    %mul3A_2 = arith.muli %add3A, %mul3A_1 : i32
    %iota3A = tpu.iota {dimensions = array<i32: 0>} : vector<16xi32>
    %jit3A = arith.constant 8 : i32
    %div3A = vector.broadcast %jit3A : i32 to vector<16xi32>
    %div3A_3 = arith.divsi %iota3A, %div3A : vector<16xi32>
    %sign3A = arith.constant 0 : i32
    %sign3A_4 = vector.broadcast %sign3A : i32 to vector<16xi32>
    %sign3A_5 = arith.cmpi sgt, %iota3A, %sign3A_4 : vector<16xi32>
    %sign3A_6 = arith.extui %sign3A_5 : vector<16xi1> to vector<16xi32>
    %sign3A_7 = arith.constant 0 : i32
    %sign3A_8 = vector.broadcast %sign3A_7 : i32 to vector<16xi32>
    %sign3A_9 = arith.cmpi slt, %iota3A, %sign3A_8 : vector<16xi32>
    %sign3A_10 = arith.extui %sign3A_9 : vector<16xi1> to vector<16xi32>
    %sign3A_11 = arith.subi %sign3A_6, %sign3A_10 : vector<16xi32>
    %sign3A_12 = arith.constant 0 : i32
    %sign3A_13 = arith.cmpi sgt, %jit3A, %sign3A_12 : i32
    %sign3A_14 = arith.extui %sign3A_13 : i1 to i32
    %sign3A_15 = arith.constant 0 : i32
    %sign3A_16 = arith.cmpi slt, %jit3A, %sign3A_15 : i32
    %sign3A_17 = arith.extui %sign3A_16 : i1 to i32
    %sign3A_18 = arith.subi %sign3A_14, %sign3A_17 : i32
    %ne3A = vector.broadcast %sign3A_18 : i32 to vector<16xi32>
    %ne3A_19 = arith.cmpi ne, %sign3A_11, %ne3A : vector<16xi32>
    %rem3A = vector.broadcast %jit3A : i32 to vector<16xi32>
    %rem3A_20 = arith.remsi %iota3A, %rem3A : vector<16xi32>
    %ne3A_21 = arith.constant 0 : i32
    %ne3A_22 = vector.broadcast %ne3A_21 : i32 to vector<16xi32>
    %ne3A_23 = arith.cmpi ne, %rem3A_20, %ne3A_22 : vector<16xi32>
    %and3A = arith.andi %ne3A_19, %ne3A_23 : vector<16xi1>
    %sub3A = arith.constant 1 : i32
    %sub3A_24 = vector.broadcast %sub3A : i32 to vector<16xi32>
    %sub3A_25 = arith.subi %div3A_3, %sub3A_24 : vector<16xi32>
    %select_n3A = arith.select %and3A, %sub3A_25, %div3A_3 : vector<16xi1>, vector<16xi32>
    %mul3A_26 = arith.constant 4096 : i32
    %mul3A_27 = vector.broadcast %mul3A_26 : i32 to vector<16xi32>
    %mul3A_28 = arith.muli %select_n3A, %mul3A_27 : vector<16xi32>
    %jit3A_29 = arith.constant 8 : i32
    %eq3A = arith.constant 0 : i32
    %eq3A_30 = arith.cmpi eq, %jit3A_29, %eq3A : i32
    %jit3A_31 = arith.constant 1 : i32
    %select_n3A_32 = arith.select %eq3A_30, %jit3A_31, %jit3A_29 : i32
    %rem3A_33 = vector.broadcast %select_n3A_32 : i32 to vector<16xi32>
    %rem3A_34 = arith.remsi %iota3A, %rem3A_33 : vector<16xi32>
    %ne3A_35 = arith.constant 0 : i32
    %ne3A_36 = vector.broadcast %ne3A_35 : i32 to vector<16xi32>
    %ne3A_37 = arith.cmpi ne, %rem3A_34, %ne3A_36 : vector<16xi32>
    %lt3A = arith.constant 0 : i32
    %lt3A_38 = vector.broadcast %lt3A : i32 to vector<16xi32>
    %lt3A_39 = arith.cmpi slt, %rem3A_34, %lt3A_38 : vector<16xi32>
    %lt3A_40 = arith.constant 0 : i32
    %lt3A_41 = arith.cmpi slt, %select_n3A_32, %lt3A_40 : i32
    %ne3A_42 = vector.broadcast %lt3A_41 : i1 to vector<16xi1>
    %ne3A_43 = vector.broadcast %ne3A_42 : vector<16xi1> to vector<16xi1>
    %ne3A_44 = arith.xori %lt3A_39, %ne3A_43 : vector<16xi1>
    %and3A_45 = arith.andi %ne3A_44, %ne3A_37 : vector<16xi1>
    %add3A_46 = vector.broadcast %select_n3A_32 : i32 to vector<16xi32>
    %add3A_47 = arith.addi %rem3A_34, %add3A_46 : vector<16xi32>
    %select_n3A_48 = arith.select %and3A_45, %add3A_47, %rem3A_34 : vector<16xi1>, vector<16xi32>
    %mul3A_49 = arith.constant 128 : i32
    %mul3A_50 = vector.broadcast %mul3A_49 : i32 to vector<16xi32>
    %mul3A_51 = arith.muli %select_n3A_48, %mul3A_50 : vector<16xi32>
    %add3A_52 = arith.addi %mul3A_28, %mul3A_51 : vector<16xi32>
    "tpu.region"() ({
      %run_scoped3A = tpu.sem_alloc : memref<!tpu.dma_semaphore, #tpu.memory_space<semaphore_mem>>
      %dma_start3A_99 = tpu.memref_slice %arg3[%mul3A_2] : memref<3276800xi32, #tpu.memory_space<hbm>> -> memref<512xi32, #tpu.memory_space<hbm>>
      %dma_start3A_100 = tpu.memref_slice %arg3[%mul3A_2] : memref<3276800xi32, #tpu.memory_space<hbm>> -> memref<512xi32, #tpu.memory_space<hbm>>
      tpu.enqueue_dma source(%dma_start3A_100 : memref<512xi32, #tpu.memory_space<hbm>>) target(%arg5 : memref<512xi32, #tpu.memory_space<vmem>>) target_semaphore(%run_scoped3A : memref<!tpu.dma_semaphore, #tpu.memory_space<semaphore_mem>>)
      %dma_wait3A_101 = tpu.memref_slice %arg3[%mul3A_2] : memref<3276800xi32, #tpu.memory_space<hbm>> -> memref<512xi32, #tpu.memory_space<hbm>>
      %dma_wait3A_102 = tpu.memref_slice %arg3[%mul3A_2] : memref<3276800xi32, #tpu.memory_space<hbm>> -> memref<512xi32, #tpu.memory_space<hbm>>
      tpu.wait_dma2 semaphore(%run_scoped3A : memref<!tpu.dma_semaphore, #tpu.memory_space<semaphore_mem>>) src(%dma_wait3A_102 : memref<512xi32, #tpu.memory_space<hbm>>) dst(%arg5 : memref<512xi32, #tpu.memory_space<vmem>>)
      tpu.yield
    }) : () -> ()
    %dma_start3A = arith.constant 0 : i32
    %dma_start3A_53 = arith.constant 0 : i32
    %dma_start3A_54 = tpu.memref_slice %arg2[%dma_start3A, %dma_start3A_53] : memref<1000001x16xf32, #tpu.memory_space<hbm>> -> memref<1000001x16xf32, #tpu.memory_space<hbm>>
    tpu.enqueue_indirect_dma source(%dma_start3A_54 : memref<1000001x16xf32, #tpu.memory_space<hbm>>) target(%arg7 : memref<512x16xf32, #tpu.memory_space<vmem>>) offsets(%arg5 : memref<512xi32, #tpu.memory_space<vmem>>) semaphore(%arg11 : memref<!tpu.dma_semaphore, #tpu.memory_space<semaphore_mem>>)
    %add3A_55 = arith.constant 16384 : i32
    %add3A_56 = arith.addi %add3A_55, %mul3A_2 : i32
    %dma_start3A_57 = tpu.memref_slice %arg3[%add3A_56] : memref<3276800xi32, #tpu.memory_space<hbm>> -> memref<512xi32, #tpu.memory_space<hbm>>
    %dma_start3A_58 = tpu.memref_slice %arg3[%add3A_56] : memref<3276800xi32, #tpu.memory_space<hbm>> -> memref<512xi32, #tpu.memory_space<hbm>>
    tpu.enqueue_dma source(%dma_start3A_58 : memref<512xi32, #tpu.memory_space<hbm>>) target(%arg6 : memref<512xi32, #tpu.memory_space<vmem>>) target_semaphore(%arg16 : memref<!tpu.dma_semaphore, #tpu.memory_space<semaphore_mem>>)
    %scan3A = arith.constant 0 : i32
    %scan3A_59 = arith.constant 0 : i32
    %scan3A_60 = arith.constant 100 : i32
    %scan3A_61 = arith.addi %scan3A_59, %scan3A_60 : i32
    %scan3A_62 = arith.constant 1 : i32
    scf.for %scan3A_99 = %scan3A_59 to %scan3A_61 step %scan3A_62  : i32 {
      %mul3A_100 = arith.constant 2 : i32
      %mul3A_101 = arith.muli %mul3A_100, %scan3A_99 : i32
      %lt3A_102 = arith.constant 199 : i32
      %lt3A_103 = arith.cmpi slt, %mul3A_101, %lt3A_102 : i32
      %convert_element_type3A = arith.extui %lt3A_103 : i1 to i32
      %cond3A = arith.constant 0 : i32
      %cond3A_104 = arith.cmpi ne, %convert_element_type3A, %cond3A : i32
      scf.if %cond3A_104 {
        %add3A_182 = arith.constant 1 : i32
        %add3A_183 = arith.addi %mul3A_101, %add3A_182 : i32
        %mul3A_184 = arith.constant 16384 : i32
        %mul3A_185 = arith.muli %add3A_183, %mul3A_184 : i32
        %add3A_186 = arith.addi %mul3A_185, %mul3A_2 : i32
        %dma_wait3A_187 = tpu.memref_slice %arg3[%add3A_186] : memref<3276800xi32, #tpu.memory_space<hbm>> -> memref<512xi32, #tpu.memory_space<hbm>>
        %dma_wait3A_188 = tpu.memref_slice %arg3[%add3A_186] : memref<3276800xi32, #tpu.memory_space<hbm>> -> memref<512xi32, #tpu.memory_space<hbm>>
        tpu.wait_dma2 semaphore(%arg16 : memref<!tpu.dma_semaphore, #tpu.memory_space<semaphore_mem>>) src(%dma_wait3A_188 : memref<512xi32, #tpu.memory_space<hbm>>) dst(%arg6 : memref<512xi32, #tpu.memory_space<vmem>>)
        %dma_start3A_189 = arith.constant 0 : i32
        %dma_start3A_190 = arith.constant 0 : i32
        %dma_start3A_191 = tpu.memref_slice %arg2[%dma_start3A_189, %dma_start3A_190] : memref<1000001x16xf32, #tpu.memory_space<hbm>> -> memref<1000001x16xf32, #tpu.memory_space<hbm>>
        tpu.enqueue_indirect_dma source(%dma_start3A_191 : memref<1000001x16xf32, #tpu.memory_space<hbm>>) target(%arg8 : memref<512x16xf32, #tpu.memory_space<vmem>>) offsets(%arg6 : memref<512xi32, #tpu.memory_space<vmem>>) semaphore(%arg12 : memref<!tpu.dma_semaphore, #tpu.memory_space<semaphore_mem>>)
      } else {
      }
      %dma_wait3A_105 = arith.constant 0 : i32
      %dma_wait3A_106 = arith.constant 0 : i32
      %dma_wait3A_107 = tpu.memref_slice %arg2[%dma_wait3A_105, %dma_wait3A_106] : memref<1000001x16xf32, #tpu.memory_space<hbm>> -> memref<1000001x16xf32, #tpu.memory_space<hbm>>
      tpu.wait_indirect_dma semaphore(%arg11 : memref<!tpu.dma_semaphore, #tpu.memory_space<semaphore_mem>>) src(%dma_wait3A_107 : memref<1000001x16xf32, #tpu.memory_space<hbm>>) dst(%arg7 : memref<512x16xf32, #tpu.memory_space<vmem>>)
      %lt3A_108 = arith.constant 198 : i32
      %lt3A_109 = arith.cmpi slt, %mul3A_101, %lt3A_108 : i32
      %convert_element_type3A_110 = arith.extui %lt3A_109 : i1 to i32
      %cond3A_111 = arith.constant 0 : i32
      %cond3A_112 = arith.cmpi ne, %convert_element_type3A_110, %cond3A_111 : i32
      scf.if %cond3A_112 {
        %add3A_182 = arith.constant 2 : i32
        %add3A_183 = arith.addi %mul3A_101, %add3A_182 : i32
        %mul3A_184 = arith.constant 16384 : i32
        %mul3A_185 = arith.muli %add3A_183, %mul3A_184 : i32
        %add3A_186 = arith.addi %mul3A_185, %mul3A_2 : i32
        %dma_start3A_187 = tpu.memref_slice %arg3[%add3A_186] : memref<3276800xi32, #tpu.memory_space<hbm>> -> memref<512xi32, #tpu.memory_space<hbm>>
        %dma_start3A_188 = tpu.memref_slice %arg3[%add3A_186] : memref<3276800xi32, #tpu.memory_space<hbm>> -> memref<512xi32, #tpu.memory_space<hbm>>
        tpu.enqueue_dma source(%dma_start3A_188 : memref<512xi32, #tpu.memory_space<hbm>>) target(%arg5 : memref<512xi32, #tpu.memory_space<vmem>>) target_semaphore(%arg15 : memref<!tpu.dma_semaphore, #tpu.memory_space<semaphore_mem>>)
      } else {
      }
      %ge3A = arith.constant 2 : i32
      %ge3A_113 = arith.cmpi sge, %mul3A_101, %ge3A : i32
      %convert_element_type3A_114 = arith.extui %ge3A_113 : i1 to i32
      %cond3A_115 = arith.constant 0 : i32
      %cond3A_116 = arith.cmpi ne, %convert_element_type3A_114, %cond3A_115 : i32
      scf.if %cond3A_116 {
        %sub3A_182 = arith.constant 2 : i32
        %sub3A_183 = arith.subi %mul3A_101, %sub3A_182 : i32
        %mul3A_184 = arith.constant 262144 : i32
        %mul3A_185 = arith.muli %sub3A_183, %mul3A_184 : i32
        %mul3A_186 = arith.constant 4096 : i32
        %mul3A_187 = arith.muli %add3A, %mul3A_186 : i32
        %add3A_188 = arith.addi %mul3A_185, %mul3A_187 : i32
        %add3A_189 = arith.constant 131072 : i32
        %add3A_190 = arith.addi %add3A_188, %add3A_189 : i32
        %dma_wait3A_191 = arith.constant 0 : i32
        %dma_wait3A_192 = tpu.memref_slice %arg9[%dma_wait3A_191] : memref<8192xf32, #tpu.memory_space<vmem>> -> memref<4096xf32, #tpu.memory_space<vmem>>
        %dma_wait3A_193 = tpu.memref_slice %arg4[%add3A_188] : memref<52428800xf32, #tpu.memory_space<hbm>> -> memref<4096xf32, #tpu.memory_space<hbm>>
        %dma_wait3A_194 = tpu.memref_slice %arg4[%add3A_188] : memref<52428800xf32, #tpu.memory_space<hbm>> -> memref<4096xf32, #tpu.memory_space<hbm>>
        %dma_wait3A_195 = arith.constant 0 : i32
        %dma_wait3A_196 = tpu.memref_slice %arg9[%dma_wait3A_195] : memref<8192xf32, #tpu.memory_space<vmem>> -> memref<4096xf32, #tpu.memory_space<vmem>>
        tpu.wait_dma2 semaphore(%arg13 : memref<!tpu.dma_semaphore, #tpu.memory_space<semaphore_mem>>) src(%dma_wait3A_196 : memref<4096xf32, #tpu.memory_space<vmem>>) dst(%dma_wait3A_194 : memref<4096xf32, #tpu.memory_space<hbm>>)
        %dma_wait3A_197 = arith.constant 4096 : i32
        %dma_wait3A_198 = tpu.memref_slice %arg9[%dma_wait3A_197] : memref<8192xf32, #tpu.memory_space<vmem>> -> memref<4096xf32, #tpu.memory_space<vmem>>
        %dma_wait3A_199 = tpu.memref_slice %arg4[%add3A_190] : memref<52428800xf32, #tpu.memory_space<hbm>> -> memref<4096xf32, #tpu.memory_space<hbm>>
        %dma_wait3A_200 = tpu.memref_slice %arg4[%add3A_190] : memref<52428800xf32, #tpu.memory_space<hbm>> -> memref<4096xf32, #tpu.memory_space<hbm>>
        %dma_wait3A_201 = arith.constant 4096 : i32
        %dma_wait3A_202 = tpu.memref_slice %arg9[%dma_wait3A_201] : memref<8192xf32, #tpu.memory_space<vmem>> -> memref<4096xf32, #tpu.memory_space<vmem>>
        tpu.wait_dma2 semaphore(%arg13 : memref<!tpu.dma_semaphore, #tpu.memory_space<semaphore_mem>>) src(%dma_wait3A_202 : memref<4096xf32, #tpu.memory_space<vmem>>) dst(%dma_wait3A_200 : memref<4096xf32, #tpu.memory_space<hbm>>)
      } else {
      }
      %parallel_loop3A = arith.constant 0 : i32
      %parallel_loop3A_117 = arith.constant 32 : i32
      %parallel_loop3A_118 = arith.constant 1 : i32
      scf.for %parallel_loop3A_182 = %parallel_loop3A to %parallel_loop3A_117 step %parallel_loop3A_118  : i32 {
        %parallel_loop3A_183 = arith.constant 8 : i32
        %parallel_loop3A_184 = arith.divsi %parallel_loop3A_182, %parallel_loop3A_183 : i32
        %parallel_loop3A_185 = arith.constant 0 : i32
        %parallel_loop3A_186 = arith.cmpi sgt, %parallel_loop3A_182, %parallel_loop3A_185 : i32
        %parallel_loop3A_187 = arith.extui %parallel_loop3A_186 : i1 to i32
        %parallel_loop3A_188 = arith.constant 0 : i32
        %parallel_loop3A_189 = arith.cmpi slt, %parallel_loop3A_182, %parallel_loop3A_188 : i32
        %parallel_loop3A_190 = arith.extui %parallel_loop3A_189 : i1 to i32
        %parallel_loop3A_191 = arith.subi %parallel_loop3A_187, %parallel_loop3A_190 : i32
        %parallel_loop3A_192 = arith.constant 0 : i32
        %parallel_loop3A_193 = arith.cmpi sgt, %parallel_loop3A_183, %parallel_loop3A_192 : i32
        %parallel_loop3A_194 = arith.extui %parallel_loop3A_193 : i1 to i32
        %parallel_loop3A_195 = arith.constant 0 : i32
        %parallel_loop3A_196 = arith.cmpi slt, %parallel_loop3A_183, %parallel_loop3A_195 : i32
        %parallel_loop3A_197 = arith.extui %parallel_loop3A_196 : i1 to i32
        %parallel_loop3A_198 = arith.subi %parallel_loop3A_194, %parallel_loop3A_197 : i32
        %parallel_loop3A_199 = arith.cmpi ne, %parallel_loop3A_191, %parallel_loop3A_198 : i32
        %parallel_loop3A_200 = arith.remsi %parallel_loop3A_182, %parallel_loop3A_183 : i32
        %parallel_loop3A_201 = arith.constant 0 : i32
        %parallel_loop3A_202 = arith.cmpi ne, %parallel_loop3A_200, %parallel_loop3A_201 : i32
        %parallel_loop3A_203 = arith.andi %parallel_loop3A_199, %parallel_loop3A_202 : i1
        %parallel_loop3A_204 = arith.constant 1 : i32
        %parallel_loop3A_205 = arith.subi %parallel_loop3A_184, %parallel_loop3A_204 : i32
        %parallel_loop3A_206 = arith.select %parallel_loop3A_203, %parallel_loop3A_205, %parallel_loop3A_184 : i32
        %parallel_loop3A_207 = arith.constant 1024 : i32
        %parallel_loop3A_208 = arith.muli %parallel_loop3A_206, %parallel_loop3A_207 : i32
        %parallel_loop3A_209 = arith.constant 8 : i32
        %parallel_loop3A_210 = arith.constant 0 : i32
        %parallel_loop3A_211 = arith.cmpi eq, %parallel_loop3A_209, %parallel_loop3A_210 : i32
        %parallel_loop3A_212 = arith.constant 1 : i32
        %parallel_loop3A_213 = arith.select %parallel_loop3A_211, %parallel_loop3A_212, %parallel_loop3A_209 : i32
        %parallel_loop3A_214 = arith.remsi %parallel_loop3A_182, %parallel_loop3A_213 : i32
        %parallel_loop3A_215 = arith.constant 0 : i32
        %parallel_loop3A_216 = arith.cmpi ne, %parallel_loop3A_214, %parallel_loop3A_215 : i32
        %parallel_loop3A_217 = arith.constant 0 : i32
        %parallel_loop3A_218 = arith.cmpi slt, %parallel_loop3A_214, %parallel_loop3A_217 : i32
        %parallel_loop3A_219 = arith.constant 0 : i32
        %parallel_loop3A_220 = arith.cmpi slt, %parallel_loop3A_213, %parallel_loop3A_219 : i32
        %parallel_loop3A_221 = arith.xori %parallel_loop3A_218, %parallel_loop3A_220 : i1
        %parallel_loop3A_222 = arith.andi %parallel_loop3A_221, %parallel_loop3A_216 : i1
        %parallel_loop3A_223 = arith.addi %parallel_loop3A_214, %parallel_loop3A_213 : i32
        %parallel_loop3A_224 = arith.select %parallel_loop3A_222, %parallel_loop3A_223, %parallel_loop3A_214 : i32
        %parallel_loop3A_225 = arith.constant 16 : i32
        %parallel_loop3A_226 = arith.muli %parallel_loop3A_224, %parallel_loop3A_225 : i32
        %parallel_loop3A_227 = arith.addi %parallel_loop3A_208, %parallel_loop3A_226 : i32
        %parallel_loop3A_228 = vector.broadcast %parallel_loop3A_227 : i32 to vector<16xi32>
        %parallel_loop3A_229 = arith.addi %add3A_52, %parallel_loop3A_228 : vector<16xi32>
        %parallel_loop3A_230 = arith.constant 16 : i32
        %parallel_loop3A_231 = arith.muli %parallel_loop3A_182, %parallel_loop3A_230 : i32
        %parallel_loop3A_232 = arith.constant 0 : i32
        %parallel_loop3A_233 = arith.addi %parallel_loop3A_231, %parallel_loop3A_232 : i32
        %parallel_loop3A_234 = arith.index_cast %parallel_loop3A_233 : i32 to index
        %parallel_loop3A_235 = arith.constant 0 : index
        %parallel_loop3A_236 = tpu.vector_load %arg7[%parallel_loop3A_234, %parallel_loop3A_235] {strides = array<i32>} : memref<512x16xf32, #tpu.memory_space<vmem>>, vector<16xf32>,
        %parallel_loop3A_237 = arith.constant 1 : i32
        %parallel_loop3A_238 = arith.addi %parallel_loop3A_231, %parallel_loop3A_237 : i32
        %parallel_loop3A_239 = arith.index_cast %parallel_loop3A_238 : i32 to index
        %parallel_loop3A_240 = arith.constant 0 : index
        %parallel_loop3A_241 = tpu.vector_load %arg7[%parallel_loop3A_239, %parallel_loop3A_240] {strides = array<i32>} : memref<512x16xf32, #tpu.memory_space<vmem>>, vector<16xf32>,
        %parallel_loop3A_242 = arith.constant 2 : i32
        %parallel_loop3A_243 = arith.addi %parallel_loop3A_231, %parallel_loop3A_242 : i32
        %parallel_loop3A_244 = arith.index_cast %parallel_loop3A_243 : i32 to index
        %parallel_loop3A_245 = arith.constant 0 : index
        %parallel_loop3A_246 = tpu.vector_load %arg7[%parallel_loop3A_244, %parallel_loop3A_245] {strides = array<i32>} : memref<512x16xf32, #tpu.memory_space<vmem>>, vector<16xf32>,
        %parallel_loop3A_247 = arith.constant 3 : i32
        %parallel_loop3A_248 = arith.addi %parallel_loop3A_231, %parallel_loop3A_247 : i32
        %parallel_loop3A_249 = arith.index_cast %parallel_loop3A_248 : i32 to index
        %parallel_loop3A_250 = arith.constant 0 : index
        %parallel_loop3A_251 = tpu.vector_load %arg7[%parallel_loop3A_249, %parallel_loop3A_250] {strides = array<i32>} : memref<512x16xf32, #tpu.memory_space<vmem>>, vector<16xf32>,
        %parallel_loop3A_252 = arith.constant 4 : i32
        %parallel_loop3A_253 = arith.addi %parallel_loop3A_231, %parallel_loop3A_252 : i32
        %parallel_loop3A_254 = arith.index_cast %parallel_loop3A_253 : i32 to index
        %parallel_loop3A_255 = arith.constant 0 : index
        %parallel_loop3A_256 = tpu.vector_load %arg7[%parallel_loop3A_254, %parallel_loop3A_255] {strides = array<i32>} : memref<512x16xf32, #tpu.memory_space<vmem>>, vector<16xf32>,
        %parallel_loop3A_257 = arith.constant 5 : i32
        %parallel_loop3A_258 = arith.addi %parallel_loop3A_231, %parallel_loop3A_257 : i32
        %parallel_loop3A_259 = arith.index_cast %parallel_loop3A_258 : i32 to index
        %parallel_loop3A_260 = arith.constant 0 : index
        %parallel_loop3A_261 = tpu.vector_load %arg7[%parallel_loop3A_259, %parallel_loop3A_260] {strides = array<i32>} : memref<512x16xf32, #tpu.memory_space<vmem>>, vector<16xf32>,
        %parallel_loop3A_262 = arith.constant 6 : i32
        %parallel_loop3A_263 = arith.addi %parallel_loop3A_231, %parallel_loop3A_262 : i32
        %parallel_loop3A_264 = arith.index_cast %parallel_loop3A_263 : i32 to index
        %parallel_loop3A_265 = arith.constant 0 : index
        %parallel_loop3A_266 = tpu.vector_load %arg7[%parallel_loop3A_264, %parallel_loop3A_265] {strides = array<i32>} : memref<512x16xf32, #tpu.memory_space<vmem>>, vector<16xf32>,
        %parallel_loop3A_267 = arith.constant 7 : i32
        %parallel_loop3A_268 = arith.addi %parallel_loop3A_231, %parallel_loop3A_267 : i32
        %parallel_loop3A_269 = arith.index_cast %parallel_loop3A_268 : i32 to index
        %parallel_loop3A_270 = arith.constant 0 : index
        %parallel_loop3A_271 = tpu.vector_load %arg7[%parallel_loop3A_269, %parallel_loop3A_270] {strides = array<i32>} : memref<512x16xf32, #tpu.memory_space<vmem>>, vector<16xf32>,
        %parallel_loop3A_272 = arith.constant 8 : i32
        %parallel_loop3A_273 = arith.addi %parallel_loop3A_231, %parallel_loop3A_272 : i32
        %parallel_loop3A_274 = arith.index_cast %parallel_loop3A_273 : i32 to index
        %parallel_loop3A_275 = arith.constant 0 : index
        %parallel_loop3A_276 = tpu.vector_load %arg7[%parallel_loop3A_274, %parallel_loop3A_275] {strides = array<i32>} : memref<512x16xf32, #tpu.memory_space<vmem>>, vector<16xf32>,
        %parallel_loop3A_277 = arith.constant 9 : i32
        %parallel_loop3A_278 = arith.addi %parallel_loop3A_231, %parallel_loop3A_277 : i32
        %parallel_loop3A_279 = arith.index_cast %parallel_loop3A_278 : i32 to index
        %parallel_loop3A_280 = arith.constant 0 : index
        %parallel_loop3A_281 = tpu.vector_load %arg7[%parallel_loop3A_279, %parallel_loop3A_280] {strides = array<i32>} : memref<512x16xf32, #tpu.memory_space<vmem>>, vector<16xf32>,
        %parallel_loop3A_282 = arith.constant 10 : i32
        %parallel_loop3A_283 = arith.addi %parallel_loop3A_231, %parallel_loop3A_282 : i32
        %parallel_loop3A_284 = arith.index_cast %parallel_loop3A_283 : i32 to index
        %parallel_loop3A_285 = arith.constant 0 : index
        %parallel_loop3A_286 = tpu.vector_load %arg7[%parallel_loop3A_284, %parallel_loop3A_285] {strides = array<i32>} : memref<512x16xf32, #tpu.memory_space<vmem>>, vector<16xf32>,
        %parallel_loop3A_287 = arith.constant 11 : i32
        %parallel_loop3A_288 = arith.addi %parallel_loop3A_231, %parallel_loop3A_287 : i32
        %parallel_loop3A_289 = arith.index_cast %parallel_loop3A_288 : i32 to index
        %parallel_loop3A_290 = arith.constant 0 : index
        %parallel_loop3A_291 = tpu.vector_load %arg7[%parallel_loop3A_289, %parallel_loop3A_290] {strides = array<i32>} : memref<512x16xf32, #tpu.memory_space<vmem>>, vector<16xf32>,
        %parallel_loop3A_292 = arith.constant 12 : i32
        %parallel_loop3A_293 = arith.addi %parallel_loop3A_231, %parallel_loop3A_292 : i32
        %parallel_loop3A_294 = arith.index_cast %parallel_loop3A_293 : i32 to index
        %parallel_loop3A_295 = arith.constant 0 : index
        %parallel_loop3A_296 = tpu.vector_load %arg7[%parallel_loop3A_294, %parallel_loop3A_295] {strides = array<i32>} : memref<512x16xf32, #tpu.memory_space<vmem>>, vector<16xf32>,
        %parallel_loop3A_297 = arith.constant 13 : i32
        %parallel_loop3A_298 = arith.addi %parallel_loop3A_231, %parallel_loop3A_297 : i32
        %parallel_loop3A_299 = arith.index_cast %parallel_loop3A_298 : i32 to index
        %parallel_loop3A_300 = arith.constant 0 : index
        %parallel_loop3A_301 = tpu.vector_load %arg7[%parallel_loop3A_299, %parallel_loop3A_300] {strides = array<i32>} : memref<512x16xf32, #tpu.memory_space<vmem>>, vector<16xf32>,
        %parallel_loop3A_302 = arith.constant 14 : i32
        %parallel_loop3A_303 = arith.addi %parallel_loop3A_231, %parallel_loop3A_302 : i32
        %parallel_loop3A_304 = arith.index_cast %parallel_loop3A_303 : i32 to index
        %parallel_loop3A_305 = arith.constant 0 : index
        %parallel_loop3A_306 = tpu.vector_load %arg7[%parallel_loop3A_304, %parallel_loop3A_305] {strides = array<i32>} : memref<512x16xf32, #tpu.memory_space<vmem>>, vector<16xf32>,
        %parallel_loop3A_307 = arith.constant 15 : i32
        %parallel_loop3A_308 = arith.addi %parallel_loop3A_231, %parallel_loop3A_307 : i32
        %parallel_loop3A_309 = arith.index_cast %parallel_loop3A_308 : i32 to index
        %parallel_loop3A_310 = arith.constant 0 : index
        %parallel_loop3A_311 = tpu.vector_load %arg7[%parallel_loop3A_309, %parallel_loop3A_310] {strides = array<i32>} : memref<512x16xf32, #tpu.memory_space<vmem>>, vector<16xf32>,
        %parallel_loop3A_312 = arith.constant 0 : i32
        %parallel_loop3A_313 = vector.broadcast %parallel_loop3A_312 : i32 to vector<16xi32>
        %parallel_loop3A_314 = arith.addi %parallel_loop3A_229, %parallel_loop3A_313 : vector<16xi32>
        tpu.vector_store_idx %arg9[%parallel_loop3A_314], %parallel_loop3A_236 : memref<8192xf32, #tpu.memory_space<vmem>>[vector<16xi32>], vector<16xf32>,
        %parallel_loop3A_315 = arith.constant 1 : i32
        %parallel_loop3A_316 = vector.broadcast %parallel_loop3A_315 : i32 to vector<16xi32>
        %parallel_loop3A_317 = arith.addi %parallel_loop3A_229, %parallel_loop3A_316 : vector<16xi32>
        tpu.vector_store_idx %arg9[%parallel_loop3A_317], %parallel_loop3A_241 : memref<8192xf32, #tpu.memory_space<vmem>>[vector<16xi32>], vector<16xf32>,
        %parallel_loop3A_318 = arith.constant 2 : i32
        %parallel_loop3A_319 = vector.broadcast %parallel_loop3A_318 : i32 to vector<16xi32>
        %parallel_loop3A_320 = arith.addi %parallel_loop3A_229, %parallel_loop3A_319 : vector<16xi32>
        tpu.vector_store_idx %arg9[%parallel_loop3A_320], %parallel_loop3A_246 : memref<8192xf32, #tpu.memory_space<vmem>>[vector<16xi32>], vector<16xf32>,
        %parallel_loop3A_321 = arith.constant 3 : i32
        %parallel_loop3A_322 = vector.broadcast %parallel_loop3A_321 : i32 to vector<16xi32>
        %parallel_loop3A_323 = arith.addi %parallel_loop3A_229, %parallel_loop3A_322 : vector<16xi32>
        tpu.vector_store_idx %arg9[%parallel_loop3A_323], %parallel_loop3A_251 : memref<8192xf32, #tpu.memory_space<vmem>>[vector<16xi32>], vector<16xf32>,
        %parallel_loop3A_324 = arith.constant 4 : i32
        %parallel_loop3A_325 = vector.broadcast %parallel_loop3A_324 : i32 to vector<16xi32>
        %parallel_loop3A_326 = arith.addi %parallel_loop3A_229, %parallel_loop3A_325 : vector<16xi32>
        tpu.vector_store_idx %arg9[%parallel_loop3A_326], %parallel_loop3A_256 : memref<8192xf32, #tpu.memory_space<vmem>>[vector<16xi32>], vector<16xf32>,
        %parallel_loop3A_327 = arith.constant 5 : i32
        %parallel_loop3A_328 = vector.broadcast %parallel_loop3A_327 : i32 to vector<16xi32>
        %parallel_loop3A_329 = arith.addi %parallel_loop3A_229, %parallel_loop3A_328 : vector<16xi32>
        tpu.vector_store_idx %arg9[%parallel_loop3A_329], %parallel_loop3A_261 : memref<8192xf32, #tpu.memory_space<vmem>>[vector<16xi32>], vector<16xf32>,
        %parallel_loop3A_330 = arith.constant 6 : i32
        %parallel_loop3A_331 = vector.broadcast %parallel_loop3A_330 : i32 to vector<16xi32>
        %parallel_loop3A_332 = arith.addi %parallel_loop3A_229, %parallel_loop3A_331 : vector<16xi32>
        tpu.vector_store_idx %arg9[%parallel_loop3A_332], %parallel_loop3A_266 : memref<8192xf32, #tpu.memory_space<vmem>>[vector<16xi32>], vector<16xf32>,
        %parallel_loop3A_333 = arith.constant 7 : i32
        %parallel_loop3A_334 = vector.broadcast %parallel_loop3A_333 : i32 to vector<16xi32>
        %parallel_loop3A_335 = arith.addi %parallel_loop3A_229, %parallel_loop3A_334 : vector<16xi32>
        tpu.vector_store_idx %arg9[%parallel_loop3A_335], %parallel_loop3A_271 : memref<8192xf32, #tpu.memory_space<vmem>>[vector<16xi32>], vector<16xf32>,
        %parallel_loop3A_336 = arith.constant 8 : i32
        %parallel_loop3A_337 = vector.broadcast %parallel_loop3A_336 : i32 to vector<16xi32>
        %parallel_loop3A_338 = arith.addi %parallel_loop3A_229, %parallel_loop3A_337 : vector<16xi32>
        tpu.vector_store_idx %arg9[%parallel_loop3A_338], %parallel_loop3A_276 : memref<8192xf32, #tpu.memory_space<vmem>>[vector<16xi32>], vector<16xf32>,
        %parallel_loop3A_339 = arith.constant 9 : i32
        %parallel_loop3A_340 = vector.broadcast %parallel_loop3A_339 : i32 to vector<16xi32>
        %parallel_loop3A_341 = arith.addi %parallel_loop3A_229, %parallel_loop3A_340 : vector<16xi32>
        tpu.vector_store_idx %arg9[%parallel_loop3A_341], %parallel_loop3A_281 : memref<8192xf32, #tpu.memory_space<vmem>>[vector<16xi32>], vector<16xf32>,
        %parallel_loop3A_342 = arith.constant 10 : i32
        %parallel_loop3A_343 = vector.broadcast %parallel_loop3A_342 : i32 to vector<16xi32>
        %parallel_loop3A_344 = arith.addi %parallel_loop3A_229, %parallel_loop3A_343 : vector<16xi32>
        tpu.vector_store_idx %arg9[%parallel_loop3A_344], %parallel_loop3A_286 : memref<8192xf32, #tpu.memory_space<vmem>>[vector<16xi32>], vector<16xf32>,
        %parallel_loop3A_345 = arith.constant 11 : i32
        %parallel_loop3A_346 = vector.broadcast %parallel_loop3A_345 : i32 to vector<16xi32>
        %parallel_loop3A_347 = arith.addi %parallel_loop3A_229, %parallel_loop3A_346 : vector<16xi32>
        tpu.vector_store_idx %arg9[%parallel_loop3A_347], %parallel_loop3A_291 : memref<8192xf32, #tpu.memory_space<vmem>>[vector<16xi32>], vector<16xf32>,
        %parallel_loop3A_348 = arith.constant 12 : i32
        %parallel_loop3A_349 = vector.broadcast %parallel_loop3A_348 : i32 to vector<16xi32>
        %parallel_loop3A_350 = arith.addi %parallel_loop3A_229, %parallel_loop3A_349 : vector<16xi32>
        tpu.vector_store_idx %arg9[%parallel_loop3A_350], %parallel_loop3A_296 : memref<8192xf32, #tpu.memory_space<vmem>>[vector<16xi32>], vector<16xf32>,
        %parallel_loop3A_351 = arith.constant 13 : i32
        %parallel_loop3A_352 = vector.broadcast %parallel_loop3A_351 : i32 to vector<16xi32>
        %parallel_loop3A_353 = arith.addi %parallel_loop3A_229, %parallel_loop3A_352 : vector<16xi32>
        tpu.vector_store_idx %arg9[%parallel_loop3A_353], %parallel_loop3A_301 : memref<8192xf32, #tpu.memory_space<vmem>>[vector<16xi32>], vector<16xf32>,
        %parallel_loop3A_354 = arith.constant 14 : i32
        %parallel_loop3A_355 = vector.broadcast %parallel_loop3A_354 : i32 to vector<16xi32>
        %parallel_loop3A_356 = arith.addi %parallel_loop3A_229, %parallel_loop3A_355 : vector<16xi32>
        tpu.vector_store_idx %arg9[%parallel_loop3A_356], %parallel_loop3A_306 : memref<8192xf32, #tpu.memory_space<vmem>>[vector<16xi32>], vector<16xf32>,
        %parallel_loop3A_357 = arith.constant 15 : i32
        %parallel_loop3A_358 = vector.broadcast %parallel_loop3A_357 : i32 to vector<16xi32>
        %parallel_loop3A_359 = arith.addi %parallel_loop3A_229, %parallel_loop3A_358 : vector<16xi32>
        tpu.vector_store_idx %arg9[%parallel_loop3A_359], %parallel_loop3A_311 : memref<8192xf32, #tpu.memory_space<vmem>>[vector<16xi32>], vector<16xf32>,
      } {sc.loop_unroll_factor = 2 : i64, sc.parallel_access}
      %mul3A_119 = arith.constant 262144 : i32
      %mul3A_120 = arith.muli %mul3A_101, %mul3A_119 : i32
      %mul3A_121 = arith.constant 4096 : i32
      %mul3A_122 = arith.muli %add3A, %mul3A_121 : i32
      %add3A_123 = arith.addi %mul3A_120, %mul3A_122 : i32
      %add3A_124 = arith.constant 131072 : i32
      %add3A_125 = arith.addi %add3A_123, %add3A_124 : i32
      %dma_start3A_126 = arith.constant 0 : i32
      %dma_start3A_127 = tpu.memref_slice %arg9[%dma_start3A_126] : memref<8192xf32, #tpu.memory_space<vmem>> -> memref<4096xf32, #tpu.memory_space<vmem>>
      %dma_start3A_128 = tpu.memref_slice %arg4[%add3A_123] : memref<52428800xf32, #tpu.memory_space<hbm>> -> memref<4096xf32, #tpu.memory_space<hbm>>
      %dma_start3A_129 = tpu.memref_slice %arg4[%add3A_123] : memref<52428800xf32, #tpu.memory_space<hbm>> -> memref<4096xf32, #tpu.memory_space<hbm>>
      %dma_start3A_130 = arith.constant 0 : i32
      %dma_start3A_131 = tpu.memref_slice %arg9[%dma_start3A_130] : memref<8192xf32, #tpu.memory_space<vmem>> -> memref<4096xf32, #tpu.memory_space<vmem>>
      tpu.enqueue_dma source(%dma_start3A_131 : memref<4096xf32, #tpu.memory_space<vmem>>) target(%dma_start3A_129 : memref<4096xf32, #tpu.memory_space<hbm>>) target_semaphore(%arg13 : memref<!tpu.dma_semaphore, #tpu.memory_space<semaphore_mem>>)
      %dma_start3A_132 = arith.constant 4096 : i32
      %dma_start3A_133 = tpu.memref_slice %arg9[%dma_start3A_132] : memref<8192xf32, #tpu.memory_space<vmem>> -> memref<4096xf32, #tpu.memory_space<vmem>>
      %dma_start3A_134 = tpu.memref_slice %arg4[%add3A_125] : memref<52428800xf32, #tpu.memory_space<hbm>> -> memref<4096xf32, #tpu.memory_space<hbm>>
      %dma_start3A_135 = tpu.memref_slice %arg4[%add3A_125] : memref<52428800xf32, #tpu.memory_space<hbm>> -> memref<4096xf32, #tpu.memory_space<hbm>>
      %dma_start3A_136 = arith.constant 4096 : i32
      %dma_start3A_137 = tpu.memref_slice %arg9[%dma_start3A_136] : memref<8192xf32, #tpu.memory_space<vmem>> -> memref<4096xf32, #tpu.memory_space<vmem>>
      tpu.enqueue_dma source(%dma_start3A_137 : memref<4096xf32, #tpu.memory_space<vmem>>) target(%dma_start3A_135 : memref<4096xf32, #tpu.memory_space<hbm>>) target_semaphore(%arg13 : memref<!tpu.dma_semaphore, #tpu.memory_space<semaphore_mem>>)
      %mul3A_138 = arith.constant 2 : i32
      %mul3A_139 = arith.muli %mul3A_138, %scan3A_99 : i32
      %add3A_140 = arith.constant 1 : i32
      %add3A_141 = arith.addi %mul3A_139, %add3A_140 : i32
      %lt3A_142 = arith.constant 199 : i32
      %lt3A_143 = arith.cmpi slt, %add3A_141, %lt3A_142 : i32
      %convert_element_type3A_144 = arith.extui %lt3A_143 : i1 to i32
      %cond3A_145 = arith.constant 0 : i32
      %cond3A_146 = arith.cmpi ne, %convert_element_type3A_144, %cond3A_145 : i32
      scf.if %cond3A_146 {
        %add3A_182 = arith.constant 1 : i32
        %add3A_183 = arith.addi %add3A_141, %add3A_182 : i32
        %mul3A_184 = arith.constant 16384 : i32
        %mul3A_185 = arith.muli %add3A_183, %mul3A_184 : i32
        %add3A_186 = arith.addi %mul3A_185, %mul3A_2 : i32
        %dma_wait3A_187 = tpu.memref_slice %arg3[%add3A_186] : memref<3276800xi32, #tpu.memory_space<hbm>> -> memref<512xi32, #tpu.memory_space<hbm>>
        %dma_wait3A_188 = tpu.memref_slice %arg3[%add3A_186] : memref<3276800xi32, #tpu.memory_space<hbm>> -> memref<512xi32, #tpu.memory_space<hbm>>
        tpu.wait_dma2 semaphore(%arg15 : memref<!tpu.dma_semaphore, #tpu.memory_space<semaphore_mem>>) src(%dma_wait3A_188 : memref<512xi32, #tpu.memory_space<hbm>>) dst(%arg5 : memref<512xi32, #tpu.memory_space<vmem>>)
        %dma_start3A_189 = arith.constant 0 : i32
        %dma_start3A_190 = arith.constant 0 : i32
        %dma_start3A_191 = tpu.memref_slice %arg2[%dma_start3A_189, %dma_start3A_190] : memref<1000001x16xf32, #tpu.memory_space<hbm>> -> memref<1000001x16xf32, #tpu.memory_space<hbm>>
        tpu.enqueue_indirect_dma source(%dma_start3A_191 : memref<1000001x16xf32, #tpu.memory_space<hbm>>) target(%arg7 : memref<512x16xf32, #tpu.memory_space<vmem>>) offsets(%arg5 : memref<512xi32, #tpu.memory_space<vmem>>) semaphore(%arg11 : memref<!tpu.dma_semaphore, #tpu.memory_space<semaphore_mem>>)
      } else {
      }
      %dma_wait3A_147 = arith.constant 0 : i32
      %dma_wait3A_148 = arith.constant 0 : i32
      %dma_wait3A_149 = tpu.memref_slice %arg2[%dma_wait3A_147, %dma_wait3A_148] : memref<1000001x16xf32, #tpu.memory_space<hbm>> -> memref<1000001x16xf32, #tpu.memory_space<hbm>>
      tpu.wait_indirect_dma semaphore(%arg12 : memref<!tpu.dma_semaphore, #tpu.memory_space<semaphore_mem>>) src(%dma_wait3A_149 : memref<1000001x16xf32, #tpu.memory_space<hbm>>) dst(%arg8 : memref<512x16xf32, #tpu.memory_space<vmem>>)
      %lt3A_150 = arith.constant 198 : i32
      %lt3A_151 = arith.cmpi slt, %add3A_141, %lt3A_150 : i32
      %convert_element_type3A_152 = arith.extui %lt3A_151 : i1 to i32
      %cond3A_153 = arith.constant 0 : i32
      %cond3A_154 = arith.cmpi ne, %convert_element_type3A_152, %cond3A_153 : i32
      scf.if %cond3A_154 {
        %add3A_182 = arith.constant 2 : i32
        %add3A_183 = arith.addi %add3A_141, %add3A_182 : i32
        %mul3A_184 = arith.constant 16384 : i32
        %mul3A_185 = arith.muli %add3A_183, %mul3A_184 : i32
        %add3A_186 = arith.addi %mul3A_185, %mul3A_2 : i32
        %dma_start3A_187 = tpu.memref_slice %arg3[%add3A_186] : memref<3276800xi32, #tpu.memory_space<hbm>> -> memref<512xi32, #tpu.memory_space<hbm>>
        %dma_start3A_188 = tpu.memref_slice %arg3[%add3A_186] : memref<3276800xi32, #tpu.memory_space<hbm>> -> memref<512xi32, #tpu.memory_space<hbm>>
        tpu.enqueue_dma source(%dma_start3A_188 : memref<512xi32, #tpu.memory_space<hbm>>) target(%arg6 : memref<512xi32, #tpu.memory_space<vmem>>) target_semaphore(%arg16 : memref<!tpu.dma_semaphore, #tpu.memory_space<semaphore_mem>>)
      } else {
      }
      %ge3A_155 = arith.constant 2 : i32
      %ge3A_156 = arith.cmpi sge, %add3A_141, %ge3A_155 : i32
      %convert_element_type3A_157 = arith.extui %ge3A_156 : i1 to i32
      %cond3A_158 = arith.constant 0 : i32
      %cond3A_159 = arith.cmpi ne, %convert_element_type3A_157, %cond3A_158 : i32
      scf.if %cond3A_159 {
        %sub3A_182 = arith.constant 2 : i32
        %sub3A_183 = arith.subi %add3A_141, %sub3A_182 : i32
        %mul3A_184 = arith.constant 262144 : i32
        %mul3A_185 = arith.muli %sub3A_183, %mul3A_184 : i32
        %mul3A_186 = arith.constant 4096 : i32
        %mul3A_187 = arith.muli %add3A, %mul3A_186 : i32
        %add3A_188 = arith.addi %mul3A_185, %mul3A_187 : i32
        %add3A_189 = arith.constant 131072 : i32
        %add3A_190 = arith.addi %add3A_188, %add3A_189 : i32
        %dma_wait3A_191 = arith.constant 0 : i32
        %dma_wait3A_192 = tpu.memref_slice %arg10[%dma_wait3A_191] : memref<8192xf32, #tpu.memory_space<vmem>> -> memref<4096xf32, #tpu.memory_space<vmem>>
        %dma_wait3A_193 = tpu.memref_slice %arg4[%add3A_188] : memref<52428800xf32, #tpu.memory_space<hbm>> -> memref<4096xf32, #tpu.memory_space<hbm>>
        %dma_wait3A_194 = tpu.memref_slice %arg4[%add3A_188] : memref<52428800xf32, #tpu.memory_space<hbm>> -> memref<4096xf32, #tpu.memory_space<hbm>>
        %dma_wait3A_195 = arith.constant 0 : i32
        %dma_wait3A_196 = tpu.memref_slice %arg10[%dma_wait3A_195] : memref<8192xf32, #tpu.memory_space<vmem>> -> memref<4096xf32, #tpu.memory_space<vmem>>
        tpu.wait_dma2 semaphore(%arg14 : memref<!tpu.dma_semaphore, #tpu.memory_space<semaphore_mem>>) src(%dma_wait3A_196 : memref<4096xf32, #tpu.memory_space<vmem>>) dst(%dma_wait3A_194 : memref<4096xf32, #tpu.memory_space<hbm>>)
        %dma_wait3A_197 = arith.constant 4096 : i32
        %dma_wait3A_198 = tpu.memref_slice %arg10[%dma_wait3A_197] : memref<8192xf32, #tpu.memory_space<vmem>> -> memref<4096xf32, #tpu.memory_space<vmem>>
        %dma_wait3A_199 = tpu.memref_slice %arg4[%add3A_190] : memref<52428800xf32, #tpu.memory_space<hbm>> -> memref<4096xf32, #tpu.memory_space<hbm>>
        %dma_wait3A_200 = tpu.memref_slice %arg4[%add3A_190] : memref<52428800xf32, #tpu.memory_space<hbm>> -> memref<4096xf32, #tpu.memory_space<hbm>>
        %dma_wait3A_201 = arith.constant 4096 : i32
        %dma_wait3A_202 = tpu.memref_slice %arg10[%dma_wait3A_201] : memref<8192xf32, #tpu.memory_space<vmem>> -> memref<4096xf32, #tpu.memory_space<vmem>>
        tpu.wait_dma2 semaphore(%arg14 : memref<!tpu.dma_semaphore, #tpu.memory_space<semaphore_mem>>) src(%dma_wait3A_202 : memref<4096xf32, #tpu.memory_space<vmem>>) dst(%dma_wait3A_200 : memref<4096xf32, #tpu.memory_space<hbm>>)
      } else {
      }
      %parallel_loop3A_160 = arith.constant 0 : i32
      %parallel_loop3A_161 = arith.constant 32 : i32
      %parallel_loop3A_162 = arith.constant 1 : i32
      scf.for %parallel_loop3A_182 = %parallel_loop3A_160 to %parallel_loop3A_161 step %parallel_loop3A_162  : i32 {
        %parallel_loop3A_183 = arith.constant 8 : i32
        %parallel_loop3A_184 = arith.divsi %parallel_loop3A_182, %parallel_loop3A_183 : i32
        %parallel_loop3A_185 = arith.constant 0 : i32
        %parallel_loop3A_186 = arith.cmpi sgt, %parallel_loop3A_182, %parallel_loop3A_185 : i32
        %parallel_loop3A_187 = arith.extui %parallel_loop3A_186 : i1 to i32
        %parallel_loop3A_188 = arith.constant 0 : i32
        %parallel_loop3A_189 = arith.cmpi slt, %parallel_loop3A_182, %parallel_loop3A_188 : i32
        %parallel_loop3A_190 = arith.extui %parallel_loop3A_189 : i1 to i32
        %parallel_loop3A_191 = arith.subi %parallel_loop3A_187, %parallel_loop3A_190 : i32
        %parallel_loop3A_192 = arith.constant 0 : i32
        %parallel_loop3A_193 = arith.cmpi sgt, %parallel_loop3A_183, %parallel_loop3A_192 : i32
        %parallel_loop3A_194 = arith.extui %parallel_loop3A_193 : i1 to i32
        %parallel_loop3A_195 = arith.constant 0 : i32
        %parallel_loop3A_196 = arith.cmpi slt, %parallel_loop3A_183, %parallel_loop3A_195 : i32
        %parallel_loop3A_197 = arith.extui %parallel_loop3A_196 : i1 to i32
        %parallel_loop3A_198 = arith.subi %parallel_loop3A_194, %parallel_loop3A_197 : i32
        %parallel_loop3A_199 = arith.cmpi ne, %parallel_loop3A_191, %parallel_loop3A_198 : i32
        %parallel_loop3A_200 = arith.remsi %parallel_loop3A_182, %parallel_loop3A_183 : i32
        %parallel_loop3A_201 = arith.constant 0 : i32
        %parallel_loop3A_202 = arith.cmpi ne, %parallel_loop3A_200, %parallel_loop3A_201 : i32
        %parallel_loop3A_203 = arith.andi %parallel_loop3A_199, %parallel_loop3A_202 : i1
        %parallel_loop3A_204 = arith.constant 1 : i32
        %parallel_loop3A_205 = arith.subi %parallel_loop3A_184, %parallel_loop3A_204 : i32
        %parallel_loop3A_206 = arith.select %parallel_loop3A_203, %parallel_loop3A_205, %parallel_loop3A_184 : i32
        %parallel_loop3A_207 = arith.constant 1024 : i32
        %parallel_loop3A_208 = arith.muli %parallel_loop3A_206, %parallel_loop3A_207 : i32
        %parallel_loop3A_209 = arith.constant 8 : i32
        %parallel_loop3A_210 = arith.constant 0 : i32
        %parallel_loop3A_211 = arith.cmpi eq, %parallel_loop3A_209, %parallel_loop3A_210 : i32
        %parallel_loop3A_212 = arith.constant 1 : i32
        %parallel_loop3A_213 = arith.select %parallel_loop3A_211, %parallel_loop3A_212, %parallel_loop3A_209 : i32
        %parallel_loop3A_214 = arith.remsi %parallel_loop3A_182, %parallel_loop3A_213 : i32
        %parallel_loop3A_215 = arith.constant 0 : i32
        %parallel_loop3A_216 = arith.cmpi ne, %parallel_loop3A_214, %parallel_loop3A_215 : i32
        %parallel_loop3A_217 = arith.constant 0 : i32
        %parallel_loop3A_218 = arith.cmpi slt, %parallel_loop3A_214, %parallel_loop3A_217 : i32
        %parallel_loop3A_219 = arith.constant 0 : i32
        %parallel_loop3A_220 = arith.cmpi slt, %parallel_loop3A_213, %parallel_loop3A_219 : i32
        %parallel_loop3A_221 = arith.xori %parallel_loop3A_218, %parallel_loop3A_220 : i1
        %parallel_loop3A_222 = arith.andi %parallel_loop3A_221, %parallel_loop3A_216 : i1
        %parallel_loop3A_223 = arith.addi %parallel_loop3A_214, %parallel_loop3A_213 : i32
        %parallel_loop3A_224 = arith.select %parallel_loop3A_222, %parallel_loop3A_223, %parallel_loop3A_214 : i32
        %parallel_loop3A_225 = arith.constant 16 : i32
        %parallel_loop3A_226 = arith.muli %parallel_loop3A_224, %parallel_loop3A_225 : i32
        %parallel_loop3A_227 = arith.addi %parallel_loop3A_208, %parallel_loop3A_226 : i32
        %parallel_loop3A_228 = vector.broadcast %parallel_loop3A_227 : i32 to vector<16xi32>
        %parallel_loop3A_229 = arith.addi %add3A_52, %parallel_loop3A_228 : vector<16xi32>
        %parallel_loop3A_230 = arith.constant 16 : i32
        %parallel_loop3A_231 = arith.muli %parallel_loop3A_182, %parallel_loop3A_230 : i32
        %parallel_loop3A_232 = arith.constant 0 : i32
        %parallel_loop3A_233 = arith.addi %parallel_loop3A_231, %parallel_loop3A_232 : i32
        %parallel_loop3A_234 = arith.index_cast %parallel_loop3A_233 : i32 to index
        %parallel_loop3A_235 = arith.constant 0 : index
        %parallel_loop3A_236 = tpu.vector_load %arg8[%parallel_loop3A_234, %parallel_loop3A_235] {strides = array<i32>} : memref<512x16xf32, #tpu.memory_space<vmem>>, vector<16xf32>,
        %parallel_loop3A_237 = arith.constant 1 : i32
        %parallel_loop3A_238 = arith.addi %parallel_loop3A_231, %parallel_loop3A_237 : i32
        %parallel_loop3A_239 = arith.index_cast %parallel_loop3A_238 : i32 to index
        %parallel_loop3A_240 = arith.constant 0 : index
        %parallel_loop3A_241 = tpu.vector_load %arg8[%parallel_loop3A_239, %parallel_loop3A_240] {strides = array<i32>} : memref<512x16xf32, #tpu.memory_space<vmem>>, vector<16xf32>,
        %parallel_loop3A_242 = arith.constant 2 : i32
        %parallel_loop3A_243 = arith.addi %parallel_loop3A_231, %parallel_loop3A_242 : i32
        %parallel_loop3A_244 = arith.index_cast %parallel_loop3A_243 : i32 to index
        %parallel_loop3A_245 = arith.constant 0 : index
        %parallel_loop3A_246 = tpu.vector_load %arg8[%parallel_loop3A_244, %parallel_loop3A_245] {strides = array<i32>} : memref<512x16xf32, #tpu.memory_space<vmem>>, vector<16xf32>,
        %parallel_loop3A_247 = arith.constant 3 : i32
        %parallel_loop3A_248 = arith.addi %parallel_loop3A_231, %parallel_loop3A_247 : i32
        %parallel_loop3A_249 = arith.index_cast %parallel_loop3A_248 : i32 to index
        %parallel_loop3A_250 = arith.constant 0 : index
        %parallel_loop3A_251 = tpu.vector_load %arg8[%parallel_loop3A_249, %parallel_loop3A_250] {strides = array<i32>} : memref<512x16xf32, #tpu.memory_space<vmem>>, vector<16xf32>,
        %parallel_loop3A_252 = arith.constant 4 : i32
        %parallel_loop3A_253 = arith.addi %parallel_loop3A_231, %parallel_loop3A_252 : i32
        %parallel_loop3A_254 = arith.index_cast %parallel_loop3A_253 : i32 to index
        %parallel_loop3A_255 = arith.constant 0 : index
        %parallel_loop3A_256 = tpu.vector_load %arg8[%parallel_loop3A_254, %parallel_loop3A_255] {strides = array<i32>} : memref<512x16xf32, #tpu.memory_space<vmem>>, vector<16xf32>,
        %parallel_loop3A_257 = arith.constant 5 : i32
        %parallel_loop3A_258 = arith.addi %parallel_loop3A_231, %parallel_loop3A_257 : i32
        %parallel_loop3A_259 = arith.index_cast %parallel_loop3A_258 : i32 to index
        %parallel_loop3A_260 = arith.constant 0 : index
        %parallel_loop3A_261 = tpu.vector_load %arg8[%parallel_loop3A_259, %parallel_loop3A_260] {strides = array<i32>} : memref<512x16xf32, #tpu.memory_space<vmem>>, vector<16xf32>,
        %parallel_loop3A_262 = arith.constant 6 : i32
        %parallel_loop3A_263 = arith.addi %parallel_loop3A_231, %parallel_loop3A_262 : i32
        %parallel_loop3A_264 = arith.index_cast %parallel_loop3A_263 : i32 to index
        %parallel_loop3A_265 = arith.constant 0 : index
        %parallel_loop3A_266 = tpu.vector_load %arg8[%parallel_loop3A_264, %parallel_loop3A_265] {strides = array<i32>} : memref<512x16xf32, #tpu.memory_space<vmem>>, vector<16xf32>,
        %parallel_loop3A_267 = arith.constant 7 : i32
        %parallel_loop3A_268 = arith.addi %parallel_loop3A_231, %parallel_loop3A_267 : i32
        %parallel_loop3A_269 = arith.index_cast %parallel_loop3A_268 : i32 to index
        %parallel_loop3A_270 = arith.constant 0 : index
        %parallel_loop3A_271 = tpu.vector_load %arg8[%parallel_loop3A_269, %parallel_loop3A_270] {strides = array<i32>} : memref<512x16xf32, #tpu.memory_space<vmem>>, vector<16xf32>,
        %parallel_loop3A_272 = arith.constant 8 : i32
        %parallel_loop3A_273 = arith.addi %parallel_loop3A_231, %parallel_loop3A_272 : i32
        %parallel_loop3A_274 = arith.index_cast %parallel_loop3A_273 : i32 to index
        %parallel_loop3A_275 = arith.constant 0 : index
        %parallel_loop3A_276 = tpu.vector_load %arg8[%parallel_loop3A_274, %parallel_loop3A_275] {strides = array<i32>} : memref<512x16xf32, #tpu.memory_space<vmem>>, vector<16xf32>,
        %parallel_loop3A_277 = arith.constant 9 : i32
        %parallel_loop3A_278 = arith.addi %parallel_loop3A_231, %parallel_loop3A_277 : i32
        %parallel_loop3A_279 = arith.index_cast %parallel_loop3A_278 : i32 to index
        %parallel_loop3A_280 = arith.constant 0 : index
        %parallel_loop3A_281 = tpu.vector_load %arg8[%parallel_loop3A_279, %parallel_loop3A_280] {strides = array<i32>} : memref<512x16xf32, #tpu.memory_space<vmem>>, vector<16xf32>,
        %parallel_loop3A_282 = arith.constant 10 : i32
        %parallel_loop3A_283 = arith.addi %parallel_loop3A_231, %parallel_loop3A_282 : i32
        %parallel_loop3A_284 = arith.index_cast %parallel_loop3A_283 : i32 to index
        %parallel_loop3A_285 = arith.constant 0 : index
        %parallel_loop3A_286 = tpu.vector_load %arg8[%parallel_loop3A_284, %parallel_loop3A_285] {strides = array<i32>} : memref<512x16xf32, #tpu.memory_space<vmem>>, vector<16xf32>,
        %parallel_loop3A_287 = arith.constant 11 : i32
        %parallel_loop3A_288 = arith.addi %parallel_loop3A_231, %parallel_loop3A_287 : i32
        %parallel_loop3A_289 = arith.index_cast %parallel_loop3A_288 : i32 to index
        %parallel_loop3A_290 = arith.constant 0 : index
        %parallel_loop3A_291 = tpu.vector_load %arg8[%parallel_loop3A_289, %parallel_loop3A_290] {strides = array<i32>} : memref<512x16xf32, #tpu.memory_space<vmem>>, vector<16xf32>,
        %parallel_loop3A_292 = arith.constant 12 : i32
        %parallel_loop3A_293 = arith.addi %parallel_loop3A_231, %parallel_loop3A_292 : i32
        %parallel_loop3A_294 = arith.index_cast %parallel_loop3A_293 : i32 to index
        %parallel_loop3A_295 = arith.constant 0 : index
        %parallel_loop3A_296 = tpu.vector_load %arg8[%parallel_loop3A_294, %parallel_loop3A_295] {strides = array<i32>} : memref<512x16xf32, #tpu.memory_space<vmem>>, vector<16xf32>,
        %parallel_loop3A_297 = arith.constant 13 : i32
        %parallel_loop3A_298 = arith.addi %parallel_loop3A_231, %parallel_loop3A_297 : i32
        %parallel_loop3A_299 = arith.index_cast %parallel_loop3A_298 : i32 to index
        %parallel_loop3A_300 = arith.constant 0 : index
        %parallel_loop3A_301 = tpu.vector_load %arg8[%parallel_loop3A_299, %parallel_loop3A_300] {strides = array<i32>} : memref<512x16xf32, #tpu.memory_space<vmem>>, vector<16xf32>,
        %parallel_loop3A_302 = arith.constant 14 : i32
        %parallel_loop3A_303 = arith.addi %parallel_loop3A_231, %parallel_loop3A_302 : i32
        %parallel_loop3A_304 = arith.index_cast %parallel_loop3A_303 : i32 to index
        %parallel_loop3A_305 = arith.constant 0 : index
        %parallel_loop3A_306 = tpu.vector_load %arg8[%parallel_loop3A_304, %parallel_loop3A_305] {strides = array<i32>} : memref<512x16xf32, #tpu.memory_space<vmem>>, vector<16xf32>,
        %parallel_loop3A_307 = arith.constant 15 : i32
        %parallel_loop3A_308 = arith.addi %parallel_loop3A_231, %parallel_loop3A_307 : i32
        %parallel_loop3A_309 = arith.index_cast %parallel_loop3A_308 : i32 to index
        %parallel_loop3A_310 = arith.constant 0 : index
        %parallel_loop3A_311 = tpu.vector_load %arg8[%parallel_loop3A_309, %parallel_loop3A_310] {strides = array<i32>} : memref<512x16xf32, #tpu.memory_space<vmem>>, vector<16xf32>,
        %parallel_loop3A_312 = arith.constant 0 : i32
        %parallel_loop3A_313 = vector.broadcast %parallel_loop3A_312 : i32 to vector<16xi32>
        %parallel_loop3A_314 = arith.addi %parallel_loop3A_229, %parallel_loop3A_313 : vector<16xi32>
        tpu.vector_store_idx %arg10[%parallel_loop3A_314], %parallel_loop3A_236 : memref<8192xf32, #tpu.memory_space<vmem>>[vector<16xi32>], vector<16xf32>,
        %parallel_loop3A_315 = arith.constant 1 : i32
        %parallel_loop3A_316 = vector.broadcast %parallel_loop3A_315 : i32 to vector<16xi32>
        %parallel_loop3A_317 = arith.addi %parallel_loop3A_229, %parallel_loop3A_316 : vector<16xi32>
        tpu.vector_store_idx %arg10[%parallel_loop3A_317], %parallel_loop3A_241 : memref<8192xf32, #tpu.memory_space<vmem>>[vector<16xi32>], vector<16xf32>,
        %parallel_loop3A_318 = arith.constant 2 : i32
        %parallel_loop3A_319 = vector.broadcast %parallel_loop3A_318 : i32 to vector<16xi32>
        %parallel_loop3A_320 = arith.addi %parallel_loop3A_229, %parallel_loop3A_319 : vector<16xi32>
        tpu.vector_store_idx %arg10[%parallel_loop3A_320], %parallel_loop3A_246 : memref<8192xf32, #tpu.memory_space<vmem>>[vector<16xi32>], vector<16xf32>,
        %parallel_loop3A_321 = arith.constant 3 : i32
        %parallel_loop3A_322 = vector.broadcast %parallel_loop3A_321 : i32 to vector<16xi32>
        %parallel_loop3A_323 = arith.addi %parallel_loop3A_229, %parallel_loop3A_322 : vector<16xi32>
        tpu.vector_store_idx %arg10[%parallel_loop3A_323], %parallel_loop3A_251 : memref<8192xf32, #tpu.memory_space<vmem>>[vector<16xi32>], vector<16xf32>,
        %parallel_loop3A_324 = arith.constant 4 : i32
        %parallel_loop3A_325 = vector.broadcast %parallel_loop3A_324 : i32 to vector<16xi32>
        %parallel_loop3A_326 = arith.addi %parallel_loop3A_229, %parallel_loop3A_325 : vector<16xi32>
        tpu.vector_store_idx %arg10[%parallel_loop3A_326], %parallel_loop3A_256 : memref<8192xf32, #tpu.memory_space<vmem>>[vector<16xi32>], vector<16xf32>,
        %parallel_loop3A_327 = arith.constant 5 : i32
        %parallel_loop3A_328 = vector.broadcast %parallel_loop3A_327 : i32 to vector<16xi32>
        %parallel_loop3A_329 = arith.addi %parallel_loop3A_229, %parallel_loop3A_328 : vector<16xi32>
        tpu.vector_store_idx %arg10[%parallel_loop3A_329], %parallel_loop3A_261 : memref<8192xf32, #tpu.memory_space<vmem>>[vector<16xi32>], vector<16xf32>,
        %parallel_loop3A_330 = arith.constant 6 : i32
        %parallel_loop3A_331 = vector.broadcast %parallel_loop3A_330 : i32 to vector<16xi32>
        %parallel_loop3A_332 = arith.addi %parallel_loop3A_229, %parallel_loop3A_331 : vector<16xi32>
        tpu.vector_store_idx %arg10[%parallel_loop3A_332], %parallel_loop3A_266 : memref<8192xf32, #tpu.memory_space<vmem>>[vector<16xi32>], vector<16xf32>,
        %parallel_loop3A_333 = arith.constant 7 : i32
        %parallel_loop3A_334 = vector.broadcast %parallel_loop3A_333 : i32 to vector<16xi32>
        %parallel_loop3A_335 = arith.addi %parallel_loop3A_229, %parallel_loop3A_334 : vector<16xi32>
        tpu.vector_store_idx %arg10[%parallel_loop3A_335], %parallel_loop3A_271 : memref<8192xf32, #tpu.memory_space<vmem>>[vector<16xi32>], vector<16xf32>,
        %parallel_loop3A_336 = arith.constant 8 : i32
        %parallel_loop3A_337 = vector.broadcast %parallel_loop3A_336 : i32 to vector<16xi32>
        %parallel_loop3A_338 = arith.addi %parallel_loop3A_229, %parallel_loop3A_337 : vector<16xi32>
        tpu.vector_store_idx %arg10[%parallel_loop3A_338], %parallel_loop3A_276 : memref<8192xf32, #tpu.memory_space<vmem>>[vector<16xi32>], vector<16xf32>,
        %parallel_loop3A_339 = arith.constant 9 : i32
        %parallel_loop3A_340 = vector.broadcast %parallel_loop3A_339 : i32 to vector<16xi32>
        %parallel_loop3A_341 = arith.addi %parallel_loop3A_229, %parallel_loop3A_340 : vector<16xi32>
        tpu.vector_store_idx %arg10[%parallel_loop3A_341], %parallel_loop3A_281 : memref<8192xf32, #tpu.memory_space<vmem>>[vector<16xi32>], vector<16xf32>,
        %parallel_loop3A_342 = arith.constant 10 : i32
        %parallel_loop3A_343 = vector.broadcast %parallel_loop3A_342 : i32 to vector<16xi32>
        %parallel_loop3A_344 = arith.addi %parallel_loop3A_229, %parallel_loop3A_343 : vector<16xi32>
        tpu.vector_store_idx %arg10[%parallel_loop3A_344], %parallel_loop3A_286 : memref<8192xf32, #tpu.memory_space<vmem>>[vector<16xi32>], vector<16xf32>,
        %parallel_loop3A_345 = arith.constant 11 : i32
        %parallel_loop3A_346 = vector.broadcast %parallel_loop3A_345 : i32 to vector<16xi32>
        %parallel_loop3A_347 = arith.addi %parallel_loop3A_229, %parallel_loop3A_346 : vector<16xi32>
        tpu.vector_store_idx %arg10[%parallel_loop3A_347], %parallel_loop3A_291 : memref<8192xf32, #tpu.memory_space<vmem>>[vector<16xi32>], vector<16xf32>,
        %parallel_loop3A_348 = arith.constant 12 : i32
        %parallel_loop3A_349 = vector.broadcast %parallel_loop3A_348 : i32 to vector<16xi32>
        %parallel_loop3A_350 = arith.addi %parallel_loop3A_229, %parallel_loop3A_349 : vector<16xi32>
        tpu.vector_store_idx %arg10[%parallel_loop3A_350], %parallel_loop3A_296 : memref<8192xf32, #tpu.memory_space<vmem>>[vector<16xi32>], vector<16xf32>,
        %parallel_loop3A_351 = arith.constant 13 : i32
        %parallel_loop3A_352 = vector.broadcast %parallel_loop3A_351 : i32 to vector<16xi32>
        %parallel_loop3A_353 = arith.addi %parallel_loop3A_229, %parallel_loop3A_352 : vector<16xi32>
        tpu.vector_store_idx %arg10[%parallel_loop3A_353], %parallel_loop3A_301 : memref<8192xf32, #tpu.memory_space<vmem>>[vector<16xi32>], vector<16xf32>,
        %parallel_loop3A_354 = arith.constant 14 : i32
        %parallel_loop3A_355 = vector.broadcast %parallel_loop3A_354 : i32 to vector<16xi32>
        %parallel_loop3A_356 = arith.addi %parallel_loop3A_229, %parallel_loop3A_355 : vector<16xi32>
        tpu.vector_store_idx %arg10[%parallel_loop3A_356], %parallel_loop3A_306 : memref<8192xf32, #tpu.memory_space<vmem>>[vector<16xi32>], vector<16xf32>,
        %parallel_loop3A_357 = arith.constant 15 : i32
        %parallel_loop3A_358 = vector.broadcast %parallel_loop3A_357 : i32 to vector<16xi32>
        %parallel_loop3A_359 = arith.addi %parallel_loop3A_229, %parallel_loop3A_358 : vector<16xi32>
        tpu.vector_store_idx %arg10[%parallel_loop3A_359], %parallel_loop3A_311 : memref<8192xf32, #tpu.memory_space<vmem>>[vector<16xi32>], vector<16xf32>,
      } {sc.loop_unroll_factor = 2 : i64, sc.parallel_access}
      %mul3A_163 = arith.constant 262144 : i32
      %mul3A_164 = arith.muli %add3A_141, %mul3A_163 : i32
      %mul3A_165 = arith.constant 4096 : i32
      %mul3A_166 = arith.muli %add3A, %mul3A_165 : i32
      %add3A_167 = arith.addi %mul3A_164, %mul3A_166 : i32
      %add3A_168 = arith.constant 131072 : i32
      %add3A_169 = arith.addi %add3A_167, %add3A_168 : i32
      %dma_start3A_170 = arith.constant 0 : i32
      %dma_start3A_171 = tpu.memref_slice %arg10[%dma_start3A_170] : memref<8192xf32, #tpu.memory_space<vmem>> -> memref<4096xf32, #tpu.memory_space<vmem>>
      %dma_start3A_172 = tpu.memref_slice %arg4[%add3A_167] : memref<52428800xf32, #tpu.memory_space<hbm>> -> memref<4096xf32, #tpu.memory_space<hbm>>
      %dma_start3A_173 = tpu.memref_slice %arg4[%add3A_167] : memref<52428800xf32, #tpu.memory_space<hbm>> -> memref<4096xf32, #tpu.memory_space<hbm>>
      %dma_start3A_174 = arith.constant 0 : i32
      %dma_start3A_175 = tpu.memref_slice %arg10[%dma_start3A_174] : memref<8192xf32, #tpu.memory_space<vmem>> -> memref<4096xf32, #tpu.memory_space<vmem>>
      tpu.enqueue_dma source(%dma_start3A_175 : memref<4096xf32, #tpu.memory_space<vmem>>) target(%dma_start3A_173 : memref<4096xf32, #tpu.memory_space<hbm>>) target_semaphore(%arg14 : memref<!tpu.dma_semaphore, #tpu.memory_space<semaphore_mem>>)
      %dma_start3A_176 = arith.constant 4096 : i32
      %dma_start3A_177 = tpu.memref_slice %arg10[%dma_start3A_176] : memref<8192xf32, #tpu.memory_space<vmem>> -> memref<4096xf32, #tpu.memory_space<vmem>>
      %dma_start3A_178 = tpu.memref_slice %arg4[%add3A_169] : memref<52428800xf32, #tpu.memory_space<hbm>> -> memref<4096xf32, #tpu.memory_space<hbm>>
      %dma_start3A_179 = tpu.memref_slice %arg4[%add3A_169] : memref<52428800xf32, #tpu.memory_space<hbm>> -> memref<4096xf32, #tpu.memory_space<hbm>>
      %dma_start3A_180 = arith.constant 4096 : i32
      %dma_start3A_181 = tpu.memref_slice %arg10[%dma_start3A_180] : memref<8192xf32, #tpu.memory_space<vmem>> -> memref<4096xf32, #tpu.memory_space<vmem>>
      tpu.enqueue_dma source(%dma_start3A_181 : memref<4096xf32, #tpu.memory_space<vmem>>) target(%dma_start3A_179 : memref<4096xf32, #tpu.memory_space<hbm>>) target_semaphore(%arg14 : memref<!tpu.dma_semaphore, #tpu.memory_space<semaphore_mem>>)
    }
    %scan3A_63 = arith.constant 100 : i32
    %mul3A_64 = arith.constant 4096 : i32
    %mul3A_65 = arith.muli %add3A, %mul3A_64 : i32
    %add3A_66 = arith.constant 51904512 : i32
    %add3A_67 = arith.addi %add3A_66, %mul3A_65 : i32
    %add3A_68 = arith.constant 131072 : i32
    %add3A_69 = arith.addi %add3A_67, %add3A_68 : i32
    %dma_wait3A = arith.constant 0 : i32
    %dma_wait3A_70 = tpu.memref_slice %arg9[%dma_wait3A] : memref<8192xf32, #tpu.memory_space<vmem>> -> memref<4096xf32, #tpu.memory_space<vmem>>
    %dma_wait3A_71 = tpu.memref_slice %arg4[%add3A_67] : memref<52428800xf32, #tpu.memory_space<hbm>> -> memref<4096xf32, #tpu.memory_space<hbm>>
    %dma_wait3A_72 = tpu.memref_slice %arg4[%add3A_67] : memref<52428800xf32, #tpu.memory_space<hbm>> -> memref<4096xf32, #tpu.memory_space<hbm>>
    %dma_wait3A_73 = arith.constant 0 : i32
    %dma_wait3A_74 = tpu.memref_slice %arg9[%dma_wait3A_73] : memref<8192xf32, #tpu.memory_space<vmem>> -> memref<4096xf32, #tpu.memory_space<vmem>>
    tpu.wait_dma2 semaphore(%arg13 : memref<!tpu.dma_semaphore, #tpu.memory_space<semaphore_mem>>) src(%dma_wait3A_74 : memref<4096xf32, #tpu.memory_space<vmem>>) dst(%dma_wait3A_72 : memref<4096xf32, #tpu.memory_space<hbm>>)
    %dma_wait3A_75 = arith.constant 4096 : i32
    %dma_wait3A_76 = tpu.memref_slice %arg9[%dma_wait3A_75] : memref<8192xf32, #tpu.memory_space<vmem>> -> memref<4096xf32, #tpu.memory_space<vmem>>
    %dma_wait3A_77 = tpu.memref_slice %arg4[%add3A_69] : memref<52428800xf32, #tpu.memory_space<hbm>> -> memref<4096xf32, #tpu.memory_space<hbm>>
    %dma_wait3A_78 = tpu.memref_slice %arg4[%add3A_69] : memref<52428800xf32, #tpu.memory_space<hbm>> -> memref<4096xf32, #tpu.memory_space<hbm>>
    %dma_wait3A_79 = arith.constant 4096 : i32
    %dma_wait3A_80 = tpu.memref_slice %arg9[%dma_wait3A_79] : memref<8192xf32, #tpu.memory_space<vmem>> -> memref<4096xf32, #tpu.memory_space<vmem>>
    tpu.wait_dma2 semaphore(%arg13 : memref<!tpu.dma_semaphore, #tpu.memory_space<semaphore_mem>>) src(%dma_wait3A_80 : memref<4096xf32, #tpu.memory_space<vmem>>) dst(%dma_wait3A_78 : memref<4096xf32, #tpu.memory_space<hbm>>)
    %mul3A_81 = arith.constant 4096 : i32
    %mul3A_82 = arith.muli %add3A, %mul3A_81 : i32
    %add3A_83 = arith.constant 52166656 : i32
    %add3A_84 = arith.addi %add3A_83, %mul3A_82 : i32
    %add3A_85 = arith.constant 131072 : i32
    %add3A_86 = arith.addi %add3A_84, %add3A_85 : i32
    %dma_wait3A_87 = arith.constant 0 : i32
    %dma_wait3A_88 = tpu.memref_slice %arg10[%dma_wait3A_87] : memref<8192xf32, #tpu.memory_space<vmem>> -> memref<4096xf32, #tpu.memory_space<vmem>>
    %dma_wait3A_89 = tpu.memref_slice %arg4[%add3A_84] : memref<52428800xf32, #tpu.memory_space<hbm>> -> memref<4096xf32, #tpu.memory_space<hbm>>
    %dma_wait3A_90 = tpu.memref_slice %arg4[%add3A_84] : memref<52428800xf32, #tpu.memory_space<hbm>> -> memref<4096xf32, #tpu.memory_space<hbm>>
    %dma_wait3A_91 = arith.constant 0 : i32
    %dma_wait3A_92 = tpu.memref_slice %arg10[%dma_wait3A_91] : memref<8192xf32, #tpu.memory_space<vmem>> -> memref<4096xf32, #tpu.memory_space<vmem>>
    tpu.wait_dma2 semaphore(%arg14 : memref<!tpu.dma_semaphore, #tpu.memory_space<semaphore_mem>>) src(%dma_wait3A_92 : memref<4096xf32, #tpu.memory_space<vmem>>) dst(%dma_wait3A_90 : memref<4096xf32, #tpu.memory_space<hbm>>)
    %dma_wait3A_93 = arith.constant 4096 : i32
    %dma_wait3A_94 = tpu.memref_slice %arg10[%dma_wait3A_93] : memref<8192xf32, #tpu.memory_space<vmem>> -> memref<4096xf32, #tpu.memory_space<vmem>>
    %dma_wait3A_95 = tpu.memref_slice %arg4[%add3A_86] : memref<52428800xf32, #tpu.memory_space<hbm>> -> memref<4096xf32, #tpu.memory_space<hbm>>
    %dma_wait3A_96 = tpu.memref_slice %arg4[%add3A_86] : memref<52428800xf32, #tpu.memory_space<hbm>> -> memref<4096xf32, #tpu.memory_space<hbm>>
    %dma_wait3A_97 = arith.constant 4096 : i32
    %dma_wait3A_98 = tpu.memref_slice %arg10[%dma_wait3A_97] : memref<8192xf32, #tpu.memory_space<vmem>> -> memref<4096xf32, #tpu.memory_space<vmem>>
    tpu.wait_dma2 semaphore(%arg14 : memref<!tpu.dma_semaphore, #tpu.memory_space<semaphore_mem>>) src(%dma_wait3A_98 : memref<4096xf32, #tpu.memory_space<vmem>>) dst(%dma_wait3A_96 : memref<4096xf32, #tpu.memory_space<hbm>>)
    return
  }
}

</mosaic_0001>

<sc_bundles>
// kernel: kernel.3.cloned.1.call-start
scs
__scs_entry_jumppad:
0x0: {  	(pc) =	sbr.rel $0x88, $3  }
0x1: {  	(tag) =	ssettag $0x0;
	lr =	simm.s32 $0x1  }
0x2: {  	[smem:$0x3F9F] =	sst lr;
	_ =	strace $0xD0000000  }
0x3: {  	_ = 	snop  }
0x4: {  	_ = 	snop  }
0x5: {  	_ = 	snop  }
0x6: {  	_ = 	snop  }
0x7: {  	_ = 	snop  }
__scs_overlays_trampoline_lowered:
0x8: {  	[smem:$0x3FAE] =	sst s0  }
0x9: {  	[smem:$0x3FAF] =	sst s1  }
0xa: {  	[smem:$0x3FB0] =	sst s2  }
0xb: {  	[smem:$0x3FB1] =	sst s3  }
0xc: {  	[smem:$0x3FB2] =	sst s4  }
0xd: {  	[smem:$0x3FB3] =	sst s5  }
0xe: {  	[smem:$0x3FB4] =	sst s6  }
0xf: {  	[smem:$0x3FB5] =	sst s7  }
0x10: {  	[smem:$0x3FB6] =	sst s8  }
0x11: {  	[smem:$0x3FB7] =	sst s9;
	s0 =	simm.s32 @!p0 $0x0  }
0x12: {  	s1 =	sld [smem:$0x3F9D];
	s0 =	simm.s32 @p0 $0x1  }
0x13: {  	[smem:$0x3FB8] =	sst s0;
	s0 =	simm.s32 @!p1 $0x0  }
0x14: {  	s2 =	sld [smem:$0x3F9C];
	s0 =	simm.s32 @p1 $0x1  }
0x15: {  	[smem:$0x3FB9] =	sst s0;
	s0 =	simm.s32 @!p2 $0x0  }
0x16: {  	s3 =	sld [smem:$0x3FDB];
	s0 =	simm.s32 @p2 $0x1  }
0x17: {  	s4 =	simm.s32 $0x1BF5;
	[smem:$0x3FBB] =	sst s0  }
0x18: {  	s0 =	sld [smem:$0x3F9E];
	_ =	swait.ge [sflag:s4], $0x0  }
0x19: {  	s7 =	sld [smem:$0x3F9F]  }
0x1a: {  	s8 =	sadd.s32 $0xFFFFE003, lr  }
0x1b: {  	s9 =	sadd.s32 $0xFFFFFEF7, lr;
	s5 =	simm.s32 $0xFFFFFFFF;
	p2 =	slt.u32 s8, $0xFFFFF086  }
0x1c: {  	p1 =	slt.u32 s9, $0xF7A;
	s5 =	simm.s32 @!p2 $0x0  }
0x1d: {  	s5 =	simm.s32 @p1 $0x1;
	p0 =	seq.s32 s7, s2  }
0x1e: {  	s7 =	smul.u32 @!p0 $0xF7A, s2;
	p2 =	seq.s32 @!p0 s5, $0x0  }
0x1f: {  	s9 =	smul.u32 $0xF7A, s1;
	s8 =	simm.s32 @!p0 $0x1BF5;
	p2 =	por !p2, p0  }
0x20: {  	[sflag:s8] =	ssyncset.s32 @!p0 $0xFFFFF086;
	s6 =	sadd.s32 @!p0 s3, s7;
	s7 =	simm.s32 @!p0 $0x108  }
0x21: {  	s3 =	sadd.s32 s3, s9;
	s6 =	sadd.s32 @!p0 $0x88, s6;
	s7 =	simm.s32 @p2 $0x1082  }
0x22: {  	[simem:s7], [sflag:s8] =	dma.local @!p0 [hbm:s6], $0xF7A  }
0x23: {  	s9 =	sor.u32 $0xD0000000, s2;
	s6 =	simm.s32 $0x108;
	_ =	swait.ge @!p0 [sflag:s8], $0x0  }
0x24: {  	s3 =	sadd.s32 $0x88, s3;
	s6 =	simm.s32 @!p1 $0x1082;
	[sflag:s4] =	ssyncset.s32 $0xFFFFF086  }
0x25: {  	[simem:s6], [sflag:s4] =	dma.local [hbm:s3], $0xF7A  }
0x26: {  	[smem:$0x3F9F] =	sst s1;
	(tag) =	ssettag s2;
	_ =	strace s9  }
0x27: {  	s1 =	sld [smem:$0x3FAF]  }
0x28: {  	s2 =	sld [smem:$0x3FB0]  }
0x29: {  	s4 =	sld [smem:$0x3FB2]  }
0x2a: {  	p0 =	seq.s32 s5, $0x0;
	s5 =	sld [smem:$0x3FB3]  }
0x2b: {  	s6 =	sld [smem:$0x3FB4]  }
0x2c: {  	s7 =	sld [smem:$0x3FB5]  }
0x2d: {  	s3 =	simm.s32 $0x108;
	s8 =	sld [smem:$0x3FB6]  }
0x2e: {  	s3 =	simm.s32 @!p0 $0x1082;
	s9 =	sld [smem:$0x3FB7]  }
0x2f: {  	lr =	sadd.s32 s0, s3;
	s0 =	sld [smem:$0x3FAE]  }
0x30: {  	s3 =	sld [smem:$0x3FB1]  }
0x31: {  	[smem:$0x3FBA] =	sst s10  }
0x32: {  	s10 =	sld [smem:$0x3FB8];
	_ =	sdelay $0x3  }
0x33: {  	p0 =	seq.s32 s10, $0x1;
	s10 =	sld [smem:$0x3FBA];
	_ =	sdelay $0x3  }
0x34: {  	[smem:$0x3FBA] =	sst s10  }
0x35: {  	s10 =	sld [smem:$0x3FB9];
	_ =	sdelay $0x3  }
0x36: {  	p1 =	seq.s32 s10, $0x1;
	s10 =	sld [smem:$0x3FBA];
	_ =	sdelay $0x3  }
0x37: {  	[smem:$0x3FBA] =	sst s10  }
0x38: {  	s10 =	sld [smem:$0x3FBB]  }
0x39: {  	_ = 	snop;
	(pc) =	sbr.ind lr, $3  }
0x3a: {  	_ = 	snop  }
0x3b: {  	_ = 	snop  }
0x3c: {  	p2 =	seq.s32 s10, $0x1;
	s10 =	sld [smem:$0x3FBA]  }
0x3d: {  	_ =	shalt  }
0x3e: {  	_ =	shalt  }
0x3f: {  	_ =	shalt  }
0x40: {  	_ =	shalt  }
0x41: {  	_ =	shalt  }
0x42: {  	_ =	shalt  }
0x43: {  	_ =	shalt  }
0x44: {  	_ =	shalt  }
0x45: {  	_ =	shalt  }
0x46: {  	_ =	shalt  }
0x47: {  	_ =	shalt  }
0x48: {  	_ =	shalt  }
0x49: {  	_ =	shalt  }
0x4a: {  	_ =	shalt  }
0x4b: {  	_ =	shalt  }
0x4c: {  	_ =	shalt  }
0x4d: {  	_ =	shalt  }
0x4e: {  	_ =	shalt  }
0x4f: {  	_ =	shalt  }
0x50: {  	_ =	shalt  }
0x51: {  	_ =	shalt  }
0x52: {  	_ =	shalt  }
0x53: {  	_ =	shalt  }
0x54: {  	_ =	shalt  }
0x55: {  	_ =	shalt  }
0x56: {  	_ =	shalt  }
0x57: {  	_ =	shalt  }
0x58: {  	_ =	shalt  }
0x59: {  	_ =	shalt  }
0x5a: {  	_ =	shalt  }
0x5b: {  	_ =	shalt  }
0x5c: {  	_ =	shalt  }
0x5d: {  	_ =	shalt  }
0x5e: {  	_ =	shalt  }
0x5f: {  	_ =	shalt  }
0x60: {  	_ =	shalt  }
0x61: {  	_ =	shalt  }
0x62: {  	_ =	shalt  }
0x63: {  	_ =	shalt  }
0x64: {  	_ =	shalt  }
0x65: {  	_ =	shalt  }
0x66: {  	_ =	shalt  }
0x67: {  	_ =	shalt  }
0x68: {  	_ =	shalt  }
0x69: {  	_ =	shalt  }
0x6a: {  	_ =	shalt  }
0x6b: {  	_ =	shalt  }
0x6c: {  	_ =	shalt  }
0x6d: {  	_ =	shalt  }
0x6e: {  	_ =	shalt  }
0x6f: {  	_ =	shalt  }
0x70: {  	_ =	shalt  }
0x71: {  	_ =	shalt  }
0x72: {  	_ =	shalt  }
0x73: {  	_ =	shalt  }
0x74: {  	_ =	shalt  }
0x75: {  	_ =	shalt  }
0x76: {  	_ =	shalt  }
0x77: {  	_ =	shalt  }
0x78: {  	_ =	shalt  }
0x79: {  	_ =	shalt  }
0x7a: {  	_ =	shalt  }
0x7b: {  	_ =	shalt  }
0x7c: {  	_ =	shalt  }
0x7d: {  	_ =	shalt  }
0x7e: {  	_ =	shalt  }
0x7f: {  	_ =	shalt  }
0x80: {  	_ =	shalt  }
0x81: {  	_ =	shalt  }
0x82: {  	_ =	shalt  }
0x83: {  	_ =	shalt  }
0x84: {  	_ =	shalt  }
0x85: {  	_ =	shalt  }
0x86: {  	_ =	shalt  }
0x87: {  	_ =	shalt  }
.Lfunc_end0:
.L_simem_size_0:
called_computation_lowered:
.L_overlay_start_0:
0x88: {  	s2 =	sld [smem:$0x3FD9]  }
0x89: {  	s3 =	sld [smem:$0x3FFE];
	_ =	sdelay $0x1  }
0x8a: {  	s1 =	srdreg.scid  }
0x8b: {  	s0 =	sand.u32 $0x1, s1  }
0x8c: {  	s17 =	sshll.u32 s0, $0xA;
	s2 =	sadd.s32 s3, s2  }
0x8d: {  	s2 =	sadd.s32 s2, s17  }
0x8e: {  	[smem:$0x3FC6] =	sst s2  }
0x8f: {  	_ = 	snop  }
0x90: {  	s2 =	sld [smem:$0x3FD0];
	(tm) =	ssettm $0x1  }
0x91: {  	s18 =	sld [smem:$0x3FFB];
	_ =	sdelay $0x3  }
0x92: {  	_ =	strace s18  }
0x93: {  	s3 =	sld [smem:$0x3FFC];
	_ =	sdelay $0x3  }
0x94: {  	_ =	strace s3  }
0x95: {  	s3 =	sld [smem:$0x3FFD];
	_ =	sdelay $0x3  }
0x96: {  	_ =	strace s3  }
0x97: {  	_ =	strace $0x8FFFFFFF  }
0x98: {  	s19 =	sld [smem:$0x3FDB];
	_ =	sdelay $0x1  }
0x99: {  	s4 =	simm.s32 $_scs_section_size  }
0x9a: {  	s5 =	simm.s32 $_size__tile_overlayer_lowered;
	s6 =	simm.s32 $_tile_overlayer_lowered  }
0x9b: {  	s22 =	simm.s32 $0x1BFF;
	s21 =	sshll.u32 s6, $0x1;
	s3 =	sadd.s32 s4, s19  }
0x9c: {  	s7 =	simm.s32 $0x0;
	s20 =	sshll.u32 s5, $0x1;
	s5 =	sadd.s32 s21, s3  }
0x9d: {  	[timem:s7], [sflag:s22] =	dma.local [hbm:s5], s20  }
0x9e: {  	_ =	swait.ge [sflag:s22], s20  }
0x9f: {  	s4 =	ssub.s32 $0x0, s20;
	[sflag:s22] =	ssyncset.done $0x0  }
0xa0: {  	[sflag:s22] =	ssyncadd.s32 s4;
	_ =	sdelay $0x1  }
0xa1: {  	s23 =	simm.s32 $0x1B8B  }
0xa2: {  	_ =	swait.ge [sflag:s23], $0x1  }
0xa3: {  	[sflag:s23] =	ssyncset.done $0x0  }
0xa4: {  	s25 =	simm.s32 $0x1B8E;
	s24 =	sld [smem:$0x3FFE];
	[sflag:s23] =	ssyncadd.s32 $0xFFFFFFFF  }
0xa5: {  	s26 =	simm.s32 $execute0_lowered;
	[smem:$0x3FD2] =	sst s25  }
0xa6: {  	s5 =	sshll.u32 s26, $0x1;
	_ =	strace $0x80000046;
	[dreg:$0x1] =	wrdreg $0xFFFFFFFF  }
0xa7: {  	s28 =	simm.s32 $_size_execute0_lowered;
	s3 =	sadd.s32 s3, s5;
	[dreg:$0x0] =	wrdreg $0x0  }
0xa8: {  	s5 =	sshll.u32 s28, $0x1;
	[dreg:$0x2] =	wrdreg s3  }
0xa9: {  	[dreg:$0x3] =	wrdreg s5  }
0xaa: {  	[dreg:$0x4] =	wrdreg $0xC0  }
0xab: {  	_ =	task [dreg:s7], $0x5FFFF  }
0xac: {  	[dreg:$0x1] =	wrdreg $0xFFFFFFFF  }
0xad: {  	[dreg:$0x0] =	wrdreg $0x60  }
0xae: {  	[dreg:$0x2] =	wrdreg s24  }
0xaf: {  	[dreg:$0x3] =	wrdreg s2  }
0xb0: {  	[dreg:$0x4] =	wrdreg $0x9  }
0xb1: {  	_ =	task.clear_ibuf [dreg:s7], $0x5FFFF;
	_ =	strace $0x90000046  }
0xb2: {  	s29 =	simm.s32 $0x9;
	_ =	strace $0x80000048  }
0xb3: {  	_ =	swait.ge [sflag:s29], $0x1  }
0xb4: {  	[sflag:s29] =	ssyncadd.s32 $0xFFFFFFFF  }
0xb5: {  	_ =	strace $0x90000048  }
0xb6: {  	_ =	sfence  }
0xb7: {  	s30 =	sld [smem:$0x0];
	_ =	sdelay $0x2  }
0xb8: {  	s31 =	sshll.u32 s1, $0xD;
	s1 =	sshrl.u32 s1, $0x2  }
0xb9: {  	s3 =	sand.u32 $0x4000, s31;
	s1 =	sadd.s32 s1, s30  }
0xba: {  	s0 =	sor.u32 s3, s0;
	s1 =	sshll.u32 s1, $0x11  }
0xbb: {  	s0 =	sor.u32 s1, s0  }
0xbc: {  	s0 =	sadd.s32 $0x8F2B, s0  }
0xbd: {  	[sflag:s0] =	ssyncadd.remote.s32 $0x1  }
0xbe: {  	_ =	sfence.sel $0xFFFF  }
0xbf: {  	[dreg:$0x0] =	wrdreg $0xFFFFFFFF;
	(pc) =	sbr.abs _section_cstart, $3  }
0xc0: {  	[dreg:$0x1] =	wrdreg $0xFFFFFFFF  }
0xc1: {  	_ =	task.clear_ibuf [dreg:s7], $0x2FFFF;
	_ =	strace $0x9FFFFFFF  }
0xc2: {  	(tm) =	ssettm $0x7FFFFFFF  }
0xc3: {  	_ =	shalt  }
tec
execute0_lowered:
.L_overlay_start_1:
0x0: {  	(tag) =	ssettag $0x1  }
0x1: {  	v0 =	vimm.s32 $0x1380  }
0x2: {  	vm14 =	vcmask $0x300;
	vm13 =	vcmask $0x704;
	vm12 =	vcmask $0xB08  }
0x3: {  	vm11 =	vcmask $0xF0C;
	vm10 =	vcmask $0x1310;
	vm9 =	vcmask $0x1714  }
0x4: {  	vm8 =	vcmask $0x1B18;
	vm7 =	vcmask $0x1F1C;
	vm6 =	vcmask $0x2320  }
0x5: {  	vm5 =	vcmask $0x2724;
	vm4 =	vcmask $0x2B28;
	vm3 =	vcmask $0x2F2C  }
0x6: {  	vm2 =	vcmask $0x3330;
	vm1 =	vcmask $0x3734;
	vm0 =	vcmask $0x3B38  }
0x7: {  	v1 =	vimm.s32 $0x1381;
	v2 =	vimm.s32 $0x1382;
	v3 =	vimm.s32 $0x1383  }
0x8: {  	v4 =	vimm.s32 $0x1384;
	v5 =	vimm.s32 $0x1385;
	v6 =	vimm.s32 $0x1386  }
0x9: {  	v7 =	vimm.s32 $0x1387;
	v8 =	vimm.s32 $0x1388;
	v9 =	vimm.s32 $0x1389  }
0xa: {  	v10 =	vimm.s32 $0x138A;
	v11 =	vimm.s32 $0x138B;
	v12 =	vimm.s32 $0x138C  }
0xb: {  	v13 =	vimm.s32 $0x138D;
	v14 =	vimm.s32 $0x138E;
	v15 =	vimm.s32 $0x138F  }
0xc: {  	v0 =	vsel vm14, $0x0, v0;
	v1 =	vsel vm14, $0x1, v1;
	v2 =	vsel vm14, $0x2, v2  }
0xd: {  	v3 =	vsel vm14, $0x3, v3;
	v4 =	vsel vm14, $0x4, v4;
	v5 =	vsel vm14, $0x5, v5  }
0xe: {  	v6 =	vsel vm14, $0x6, v6;
	v7 =	vsel vm14, $0x7, v7;
	v8 =	vsel vm14, $0x8, v8  }
0xf: {  	v9 =	vsel vm14, $0x9, v9;
	v10 =	vsel vm14, $0xA, v10;
	v11 =	vsel vm14, $0xB, v11  }
0x10: {  	v12 =	vsel vm14, $0xC, v12;
	v13 =	vsel vm14, $0xD, v13;
	v14 =	vsel vm14, $0xE, v14  }
0x11: {  	v15 =	vsel vm14, $0xF, v15;
	v0 =	vsel vm13, $0x80, v0;
	v1 =	vsel vm13, $0x81, v1  }
0x12: {  	v2 =	vsel vm13, $0x82, v2;
	v3 =	vsel vm13, $0x83, v3;
	v4 =	vsel vm13, $0x84, v4  }
0x13: {  	v5 =	vsel vm13, $0x85, v5;
	v6 =	vsel vm13, $0x86, v6;
	v7 =	vsel vm13, $0x87, v7  }
0x14: {  	v8 =	vsel vm13, $0x88, v8;
	v9 =	vsel vm13, $0x89, v9;
	v10 =	vsel vm13, $0x8A, v10  }
0x15: {  	v11 =	vsel vm13, $0x8B, v11;
	v12 =	vsel vm13, $0x8C, v12;
	v13 =	vsel vm13, $0x8D, v13  }
0x16: {  	v14 =	vsel vm13, $0x8E, v14;
	v15 =	vsel vm13, $0x8F, v15;
	v0 =	vsel vm12, $0x100, v0  }
0x17: {  	v1 =	vsel vm12, $0x101, v1;
	v2 =	vsel vm12, $0x102, v2;
	v3 =	vsel vm12, $0x103, v3  }
0x18: {  	v4 =	vsel vm12, $0x104, v4;
	v5 =	vsel vm12, $0x105, v5;
	v6 =	vsel vm12, $0x106, v6  }
0x19: {  	v7 =	vsel vm12, $0x107, v7;
	v8 =	vsel vm12, $0x108, v8;
	v9 =	vsel vm12, $0x109, v9  }
0x1a: {  	v10 =	vsel vm12, $0x10A, v10;
	v11 =	vsel vm12, $0x10B, v11;
	v12 =	vsel vm12, $0x10C, v12  }
0x1b: {  	v13 =	vsel vm12, $0x10D, v13;
	v14 =	vsel vm12, $0x10E, v14;
	v15 =	vsel vm12, $0x10F, v15  }
0x1c: {  	v0 =	vsel vm11, $0x180, v0;
	v1 =	vsel vm11, $0x181, v1;
	v2 =	vsel vm11, $0x182, v2  }
0x1d: {  	v3 =	vsel vm11, $0x183, v3;
	v4 =	vsel vm11, $0x184, v4;
	v5 =	vsel vm11, $0x185, v5  }
0x1e: {  	v6 =	vsel vm11, $0x186, v6;
	v7 =	vsel vm11, $0x187, v7;
	v8 =	vsel vm11, $0x188, v8  }
0x1f: {  	v9 =	vsel vm11, $0x189, v9;
	v10 =	vsel vm11, $0x18A, v10;
	v11 =	vsel vm11, $0x18B, v11  }
0x20: {  	v12 =	vsel vm11, $0x18C, v12;
	v13 =	vsel vm11, $0x18D, v13;
	v14 =	vsel vm11, $0x18E, v14  }
0x21: {  	v15 =	vsel vm11, $0x18F, v15;
	v0 =	vsel vm10, $0x200, v0;
	v1 =	vsel vm10, $0x201, v1  }
0x22: {  	v2 =	vsel vm10, $0x202, v2;
	v3 =	vsel vm10, $0x203, v3;
	v4 =	vsel vm10, $0x204, v4  }
0x23: {  	v5 =	vsel vm10, $0x205, v5;
	v6 =	vsel vm10, $0x206, v6;
	v7 =	vsel vm10, $0x207, v7  }
0x24: {  	v8 =	vsel vm10, $0x208, v8;
	v9 =	vsel vm10, $0x209, v9;
	v10 =	vsel vm10, $0x20A, v10  }
0x25: {  	v11 =	vsel vm10, $0x20B, v11;
	v12 =	vsel vm10, $0x20C, v12;
	v13 =	vsel vm10, $0x20D, v13  }
0x26: {  	v14 =	vsel vm10, $0x20E, v14;
	v15 =	vsel vm10, $0x20F, v15;
	v0 =	vsel vm9, $0x280, v0  }
0x27: {  	v1 =	vsel vm9, $0x281, v1;
	v2 =	vsel vm9, $0x282, v2;
	v3 =	vsel vm9, $0x283, v3  }
0x28: {  	v4 =	vsel vm9, $0x284, v4;
	v5 =	vsel vm9, $0x285, v5;
	v6 =	vsel vm9, $0x286, v6  }
0x29: {  	v7 =	vsel vm9, $0x287, v7;
	v8 =	vsel vm9, $0x288, v8;
	v9 =	vsel vm9, $0x289, v9  }
0x2a: {  	v10 =	vsel vm9, $0x28A, v10;
	v11 =	vsel vm9, $0x28B, v11;
	v12 =	vsel vm9, $0x28C, v12  }
0x2b: {  	v13 =	vsel vm9, $0x28D, v13;
	v14 =	vsel vm9, $0x28E, v14;
	v15 =	vsel vm9, $0x28F, v15  }
0x2c: {  	v0 =	vsel vm8, $0x300, v0;
	v1 =	vsel vm8, $0x301, v1;
	v2 =	vsel vm8, $0x302, v2  }
0x2d: {  	v3 =	vsel vm8, $0x303, v3;
	v4 =	vsel vm8, $0x304, v4;
	v5 =	vsel vm8, $0x305, v5  }
0x2e: {  	v6 =	vsel vm8, $0x306, v6;
	v7 =	vsel vm8, $0x307, v7;
	v8 =	vsel vm8, $0x308, v8  }
0x2f: {  	v9 =	vsel vm8, $0x309, v9;
	v10 =	vsel vm8, $0x30A, v10;
	v11 =	vsel vm8, $0x30B, v11  }
0x30: {  	v12 =	vsel vm8, $0x30C, v12;
	v13 =	vsel vm8, $0x30D, v13;
	v14 =	vsel vm8, $0x30E, v14  }
0x31: {  	v15 =	vsel vm8, $0x30F, v15;
	v0 =	vsel vm7, $0x380, v0;
	v1 =	vsel vm7, $0x381, v1  }
0x32: {  	v2 =	vsel vm7, $0x382, v2;
	v3 =	vsel vm7, $0x383, v3;
	v4 =	vsel vm7, $0x384, v4  }
0x33: {  	v5 =	vsel vm7, $0x385, v5;
	v6 =	vsel vm7, $0x386, v6;
	v7 =	vsel vm7, $0x387, v7  }
0x34: {  	v8 =	vsel vm7, $0x388, v8;
	v9 =	vsel vm7, $0x389, v9;
	v10 =	vsel vm7, $0x38A, v10  }
0x35: {  	v11 =	vsel vm7, $0x38B, v11;
	v12 =	vsel vm7, $0x38C, v12;
	v13 =	vsel vm7, $0x38D, v13  }
0x36: {  	v14 =	vsel vm7, $0x38E, v14;
	v15 =	vsel vm7, $0x38F, v15;
	v0 =	vsel vm6, $0x1000, v0  }
0x37: {  	v1 =	vsel vm6, $0x1001, v1;
	v2 =	vsel vm6, $0x1002, v2;
	v3 =	vsel vm6, $0x1003, v3  }
0x38: {  	v4 =	vsel vm6, $0x1004, v4;
	v5 =	vsel vm6, $0x1005, v5;
	v6 =	vsel vm6, $0x1006, v6  }
0x39: {  	v7 =	vsel vm6, $0x1007, v7;
	v8 =	vsel vm6, $0x1008, v8;
	v9 =	vsel vm6, $0x1009, v9  }
0x3a: {  	v10 =	vsel vm6, $0x100A, v10;
	v11 =	vsel vm6, $0x100B, v11;
	v12 =	vsel vm6, $0x100C, v12  }
0x3b: {  	v13 =	vsel vm6, $0x100D, v13;
	v14 =	vsel vm6, $0x100E, v14;
	v15 =	vsel vm6, $0x100F, v15  }
0x3c: {  	v0 =	vsel vm5, $0x1080, v0;
	v1 =	vsel vm5, $0x1081, v1;
	v2 =	vsel vm5, $0x1082, v2  }
0x3d: {  	v3 =	vsel vm5, $0x1083, v3;
	v4 =	vsel vm5, $0x1084, v4;
	v5 =	vsel vm5, $0x1085, v5  }
0x3e: {  	v6 =	vsel vm5, $0x1086, v6;
	v7 =	vsel vm5, $0x1087, v7;
	v8 =	vsel vm5, $0x1088, v8  }
0x3f: {  	v9 =	vsel vm5, $0x1089, v9;
	v10 =	vsel vm5, $0x108A, v10;
	v11 =	vsel vm5, $0x108B, v11  }
0x40: {  	v12 =	vsel vm5, $0x108C, v12;
	v13 =	vsel vm5, $0x108D, v13;
	v14 =	vsel vm5, $0x108E, v14  }
0x41: {  	v15 =	vsel vm5, $0x108F, v15;
	v0 =	vsel vm4, $0x1100, v0;
	v1 =	vsel vm4, $0x1101, v1  }
0x42: {  	v2 =	vsel vm4, $0x1102, v2;
	v3 =	vsel vm4, $0x1103, v3;
	v4 =	vsel vm4, $0x1104, v4  }
0x43: {  	v5 =	vsel vm4, $0x1105, v5;
	v6 =	vsel vm4, $0x1106, v6;
	v7 =	vsel vm4, $0x1107, v7  }
0x44: {  	v8 =	vsel vm4, $0x1108, v8;
	v9 =	vsel vm4, $0x1109, v9;
	v10 =	vsel vm4, $0x110A, v10  }
0x45: {  	v11 =	vsel vm4, $0x110B, v11;
	v12 =	vsel vm4, $0x110C, v12;
	v13 =	vsel vm4, $0x110D, v13  }
0x46: {  	v14 =	vsel vm4, $0x110E, v14;
	v15 =	vsel vm4, $0x110F, v15;
	v0 =	vsel vm3, $0x1180, v0  }
0x47: {  	v1 =	vsel vm3, $0x1181, v1;
	v2 =	vsel vm3, $0x1182, v2;
	v3 =	vsel vm3, $0x1183, v3  }
0x48: {  	v4 =	vsel vm3, $0x1184, v4;
	v5 =	vsel vm3, $0x1185, v5;
	v6 =	vsel vm3, $0x1186, v6  }
0x49: {  	v7 =	vsel vm3, $0x1187, v7;
	v8 =	vsel vm3, $0x1188, v8;
	v9 =	vsel vm3, $0x1189, v9  }
0x4a: {  	v10 =	vsel vm3, $0x118A, v10;
	v11 =	vsel vm3, $0x118B, v11;
	v12 =	vsel vm3, $0x118C, v12  }
0x4b: {  	v13 =	vsel vm3, $0x118D, v13;
	v14 =	vsel vm3, $0x118E, v14;
	v15 =	vsel vm3, $0x118F, v15  }
0x4c: {  	v0 =	vsel vm2, $0x1200, v0;
	v1 =	vsel vm2, $0x1201, v1;
	v2 =	vsel vm2, $0x1202, v2  }
0x4d: {  	v3 =	vsel vm2, $0x1203, v3;
	v4 =	vsel vm2, $0x1204, v4;
	v5 =	vsel vm2, $0x1205, v5  }
0x4e: {  	s0 =	rddreg [dreg:$0x0];
	v6 =	vsel vm2, $0x1206, v6;
	v7 =	vsel vm2, $0x1207, v7;
	v8 =	vsel vm2, $0x1208, v8  }
0x4f: {  	s1 =	rddreg [dreg:$0x1];
	s2 =	simm.s32 $0x0;
	v9 =	vsel vm2, $0x1209, v9;
	v10 =	vsel vm2, $0x120A, v10;
	v11 =	vsel vm2, $0x120B, v11  }
0x50: {  	s3 =	srdreg.scid;
	s4 =	stileid.u32;
	s14 =	simm.s32 $0x200;
	v12 =	vsel vm2, $0x120C, v12;
	v13 =	vsel vm2, $0x120D, v13;
	v14 =	vsel vm2, $0x120E, v14  }
0x51: {  	s16 =	simm.s32 $0x6;
	s17 =	simm.s32 $0x2400;
	s18 =	simm.s32 $0x1;
	v15 =	vsel vm2, $0x120F, v15;
	v0 =	vsel vm1, $0x1280, v0;
	v1 =	vsel vm1, $0x1281, v1  }
0x52: {  	s19 =	simm.s32 $0x4400;
	s20 =	simm.s32 $0x5400;
	s21 =	simm.s32 $0x2;
	v2 =	vsel vm1, $0x1282, v2;
	v3 =	vsel vm1, $0x1283, v3;
	v4 =	vsel vm1, $0x1284, v4  }
0x53: {  	s22 =	simm.s32 $0x6400;
	s23 =	simm.s32 $0x7400;
	s24 =	simm.s32 $0x3;
	v5 =	vsel vm1, $0x1285, v5;
	v6 =	vsel vm1, $0x1286, v6;
	v7 =	vsel vm1, $0x1287, v7  }
0x54: {  	s25 =	simm.s32 $0x4;
	s26 =	simm.s32 $0x0;
	[smem:$0x7FF] =	sst s2;
	v8 =	vsel vm1, $0x1288, v8;
	v9 =	vsel vm1, $0x1289, v9;
	v10 =	vsel vm1, $0x128A, v10  }
0x55: {  	s3 =	sand.u32 $0x1, s3;
	s5 =	sshll.u32 s4, $0x1;
	s4 =	sadd.s32 $0xF42C00, s0;
	v11 =	vsel vm1, $0x128B, v11;
	v12 =	vsel vm1, $0x128C, v12;
	v13 =	vsel vm1, $0x128D, v13  }
0x56: {  	s11 =	sadd.s32 $0x4000, s1;
	_ =	strace $0x80000047;
	s7 =	sor.u32 s3, s5;
	v14 =	vsel vm1, $0x128E, v14;
	v15 =	vsel vm1, $0x128F, v15;
	v0 =	vsel vm0, $0x1300, v0  }
0x57: {  	s5 =	sadd.s32 $0x600, s0;
	s30 =	ssub.s32 $0x2, s3;
	s31 =	sshll.u32 s7, $0x6;
	v1 =	vsel vm0, $0x1301, v1;
	v2 =	vsel vm0, $0x1302, v2;
	v3 =	vsel vm0, $0x1303, v3  }
0x58: {  	s8 =	sshrl.u32 s30, $0x1;
	s9 =	sshll.u32 s7, $0x9;
	s3 =	sadd.s32 s5, s31;
	v4 =	vsel vm0, $0x1304, v4;
	v5 =	vsel vm0, $0x1305, v5;
	v6 =	vsel vm0, $0x1306, v6  }
0x59: {  	s0 =	ssub.s32 s30, s8;
	[dreg:$0x3] =	wrdreg s3;
	s3 =	sadd.s32 $0x800, s3;
	v7 =	vsel vm0, $0x1307, v7;
	v8 =	vsel vm0, $0x1308, v8;
	v9 =	vsel vm0, $0x1309, v9  }
0x5a: {  	s10 =	sshll.u32 s7, $0xC;
	s0 =	smax.u32 s0, $0x1;
	[dreg:$0x4] =	wrdreg s3;
	v10 =	vsel vm0, $0x130A, v10;
	v11 =	vsel vm0, $0x130B, v11;
	v12 =	vsel vm0, $0x130C, v12  }
0x5b: {  	s8 =	sor.u32 $0x8000, s9;
	s9 =	sor.u32 $0xC000, s9;
	[dreg:$0x5] =	wrdreg s0;
	v13 =	vsel vm0, $0x130D, v13;
	v14 =	vsel vm0, $0x130E, v14;
	v15 =	vsel vm0, $0x130F, v15  }
.LBB2_1:
0x5c: {  	s0 =	rddreg [dreg:$0x3];
	s29 =	simm.s32 $0x7  }
0x5d: {  	[tilespmem:s2], [sflag:$0x7] =	stream.linear.gather [hbm4b:s0+s2], $0x200, $0x38;
	[tilespmem:$0x8400] =	vst v63  }
0x5e: {  	_ =	swait.ge [sflag:s29], $0x200  }
0x5f: {  	[sflag:s29] =	ssyncset.done $0x0  }
0x60: {  	s30 =	simm.s32 $0x400;
	[sflag:s29] =	ssyncadd.s32 $0xFFFFFE00  }
0x61: {  	[tilespmem:s30], [sflag:$0x1] =	stream.indirect.gather [hbm4b:s4+s14], $0x10, s2, s14, $0xb8;
	[tilespmem:$0x8400] =	vst v63  }
0x62: {  	s28 =	simm.s32 $0x0;
	s31 =	rddreg [dreg:$0x4]  }
0x63: {  	[tilespmem:s14], [sflag:$0x6] =	stream.linear.gather [hbm4b:s31+s2], $0x200, $0x38;
	[tilespmem:$0x8400] =	vst v63  }
.LBB2_2:
0x64: {  	_ =	swait.ge [sflag:s16], $0x200  }
0x65: {  	p0 =	seq.s32 s28, $0x63;
	[sflag:s16] =	ssyncset.done $0x0  }
0x66: {  	s29 =	sshll.u32 @!p0 s28, $0xF;
	[sflag:s16] =	ssyncadd.s32 $0xFFFFFE00  }
0x67: {  	[tilespmem:s17], [sflag:$0x2] =	stream.indirect.gather [hbm4b:s4+s14], $0x10, s14, s14, $0xb8;
	[tilespmem:$0x8400] =	vst v63  }
0x68: {  	s3 =	simm.s32 @!p0 $0x0;
	s0 =	sadd.s32 @!p0 s8, s29;
	_ =	swait.ge [sflag:s18], $0x2000  }
0x69: {  	p1 =	seq.s32 @!p0 s28, $0x0;
	s0 =	sshrl.u32 @!p0 s0, $0x3;
	[sflag:s18] =	ssyncset.done $0x0  }
0x6a: {  	p1 =	por p0, !p1;
	s0 =	sadd.s32 @!p0 s5, s0;
	[sflag:s18] =	ssyncadd.s32 $0xFFFFE000  }
0x6b: {  	[tilespmem:s3], [sflag:$0x5] =	stream.linear.gather @!p0 [hbm4b:s0+s3], $0x200, $0x38;
	[tilespmem:$0x8400] =	vst v63  }
0x6c: {  	_ =	swait.ge @p1 [sflag:s24], $0x1000  }
0x6d: {  	[sflag:s24] =	ssyncset.done @p1 $0x0  }
0x6e: {  	[sflag:s24] =	ssyncadd.s32 @p1 $0xFFFFF000  }
0x6f: {  	_ =	swait.ge @p1 [sflag:s24], $0x1000  }
0x70: {  	[sflag:s24] =	ssyncset.done @p1 $0x0  }
0x71: {  	s13 =	simm.s32 $0x500;
	[sflag:s24] =	ssyncadd.s32 @p1 $0xFFFFF000  }
0x72: {  	v16 =	vld [tilespmem:s13+$0x0]  }
0x73: {  	v17 =	vld [tilespmem:s13+$0x10]  }
0x74: {  	v18 =	vld [tilespmem:s13+$0x20]  }
0x75: {  	v19 =	vld [tilespmem:s13+$0x30]  }
0x76: {  	v20 =	vld [tilespmem:s13+$0x40]  }
0x77: {  	v21 =	vld [tilespmem:s13+$0x50]  }
0x78: {  	v22 =	vld [tilespmem:s13+$0x60]  }
0x79: {  	s30 =	simm.s32 $0x0;
	s15 =	simm.s32 $0x10;
	v23 =	vld [tilespmem:s13+$0x70]  }
0x7a: {  	s7 =	sand.u32 $0xC00, s30;
	s3 =	sand.u32 $0x70, s15;
	v24 =	vld [tilespmem:s13+$0x80]  }
0x7b: {  	s3 =	sor.u32 s7, s3;
	v25 =	vld [tilespmem:s13+$0x90]  }
0x7c: {  	v27 =	vor.u32 s3, v0;
	v26 =	vld [tilespmem:s13+$0xA0]  }
0x7d: {  	v29 =	vor.u32 s3, v1;
	v28 =	vld [tilespmem:s13+$0xB0]  }
0x7e: {  	v32 =	vor.u32 s3, v2;
	v30 =	vld [tilespmem:s13+$0xC0]  }
0x7f: {  	v33 =	vor.u32 s3, v3;
	v43 =	vld [tilespmem:s13+$0xD0]  }
0x80: {  	v34 =	vor.u32 s3, v4;
	v44 =	vld [tilespmem:s13+$0xE0]  }
0x81: {  	v45 =	vld [tilespmem:s13+$0xF0];
	[tilespmem:v27+s19+$0x0] =	vst.idx.msk $0xffff, v16;
	v16 =	vor.u32 s3, v5  }
0x82: {  	v46 =	vld [tilespmem:s13+$0xFFFFFF00];
	[tilespmem:v29+s19+$0x0] =	vst.idx.msk $0xffff, v17;
	v17 =	vor.u32 s3, v6  }
0x83: {  	v31 =	vld [tilespmem:s13+$0xFFFFFF10];
	[tilespmem:v32+s19+$0x0] =	vst.idx.msk $0xffff, v18;
	v18 =	vor.u32 s3, v7  }
0x84: {  	v35 =	vld [tilespmem:s13+$0xFFFFFF50];
	[tilespmem:v33+s19+$0x0] =	vst.idx.msk $0xffff, v19;
	v19 =	vor.u32 s3, v8  }
0x85: {  	v36 =	vld [tilespmem:s13+$0xFFFFFF60];
	[tilespmem:v34+s19+$0x0] =	vst.idx.msk $0xffff, v20;
	v20 =	vor.u32 s3, v9  }
0x86: {  	v37 =	vld [tilespmem:s13+$0xFFFFFF70];
	[tilespmem:v16+s19+$0x0] =	vst.idx.msk $0xffff, v21;
	v16 =	vor.u32 s3, v10  }
0x87: {  	v38 =	vld [tilespmem:s13+$0xFFFFFF80];
	[tilespmem:v17+s19+$0x0] =	vst.idx.msk $0xffff, v22;
	v17 =	vor.u32 s3, v11  }
0x88: {  	v39 =	vld [tilespmem:s13+$0xFFFFFF90];
	[tilespmem:v18+s19+$0x0] =	vst.idx.msk $0xffff, v23;
	v18 =	vor.u32 s3, v12  }
0x89: {  	v41 =	vld [tilespmem:s13+$0xFFFFFFA0];
	[tilespmem:v19+s19+$0x0] =	vst.idx.msk $0xffff, v24;
	v19 =	vor.u32 s3, v13  }
0x8a: {  	s15 =	sand.u32 $0x60, s30;
	v40 =	vld [tilespmem:s13+$0xFFFFFFB0];
	[tilespmem:v20+s19+$0x0] =	vst.idx.msk $0xffff, v25;
	v20 =	vor.u32 s3, v14  }
0x8b: {  	s7 =	sor.u32 s15, s7;
	v42 =	vld [tilespmem:s13+$0xFFFFFFC0];
	[tilespmem:v16+s19+$0x0] =	vst.idx.msk $0xffff, v26;
	v16 =	vor.u32 s3, v15  }
0x8c: {  	v47 =	vor.u32 s7, v0;
	v32 =	vld [tilespmem:s13+$0xFFFFFF20];
	[tilespmem:v17+s19+$0x0] =	vst.idx.msk $0xffff, v28  }
0x8d: {  	v27 =	vor.u32 s7, v8;
	v29 =	vor.u32 s7, v6;
	v33 =	vld [tilespmem:s13+$0xFFFFFF30];
	v22 =	vor.u32 s7, v1;
	[tilespmem:v18+s19+$0x0] =	vst.idx.msk $0xffff, v30  }
0x8e: {  	v34 =	vld [tilespmem:s13+$0xFFFFFF40];
	v21 =	vor.u32 s7, v9;
	v23 =	vor.u32 s7, v3;
	v25 =	vor.u32 s7, v2;
	[tilespmem:v19+s19+$0x0] =	vst.idx.msk $0xffff, v43  }
0x8f: {  	v24 =	vor.u32 s7, v10;
	v26 =	vor.u32 s7, v5;
	v28 =	vor.u32 s7, v4;
	v43 =	vld [tilespmem:s13+$0xFFFFFFD0];
	[tilespmem:v20+s19+$0x0] =	vst.idx.msk $0xffff, v44  }
0x90: {  	s31 =	sshll.u32 s28, $0x1;
	v17 =	vor.u32 s7, v14;
	v30 =	vor.u32 s7, v7;
	v18 =	vor.u32 s7, v13;
	v44 =	vld [tilespmem:s13+$0xFFFFFFE0];
	[tilespmem:v16+s19+$0x0] =	vst.idx.msk $0xffff, v45  }
0x91: {  	s0 =	simm.s32 $0x0;
	s15 =	simm.s32 $0x0;
	s3 =	simm.s32 $0x700;
	v19 =	vor.u32 s7, v11;
	v20 =	vor.u32 s7, v12;
	v45 =	vld [tilespmem:s13+$0xFFFFFFF0];
	v16 =	vor.u32 s7, v15;
	[tilespmem:v47+s19+$0x0] =	vst.idx.msk $0xffff, v46  }
.LBB2_3:
0x92: {  	v46 =	vld [tilespmem:s3+$0x0];
	[tilespmem:v22+s19+$0x0] =	vst.idx.msk $0xffff, v31  }
0x93: {  	v31 =	vld [tilespmem:s3+$0x10];
	[tilespmem:v25+s19+$0x0] =	vst.idx.msk $0xffff, v32  }
0x94: {  	v32 =	vld [tilespmem:s3+$0x20];
	[tilespmem:v23+s19+$0x0] =	vst.idx.msk $0xffff, v33  }
0x95: {  	v33 =	vld [tilespmem:s3+$0x30];
	[tilespmem:v28+s19+$0x0] =	vst.idx.msk $0xffff, v34  }
0x96: {  	v34 =	vld [tilespmem:s3+$0x40];
	[tilespmem:v26+s19+$0x0] =	vst.idx.msk $0xffff, v35  }
0x97: {  	v35 =	vld [tilespmem:s3+$0x50];
	[tilespmem:v29+s19+$0x0] =	vst.idx.msk $0xffff, v36  }
0x98: {  	s30 =	sadd.s32 $0x20, s30;
	v36 =	vld [tilespmem:s3+$0x60];
	[tilespmem:v30+s19+$0x0] =	vst.idx.msk $0xffff, v37  }
0x99: {  	s15 =	sadd.s32 $0x100, s15;
	s7 =	sand.u32 $0x60, s30;
	s12 =	sadd.s32 $0x10, s30;
	v37 =	vld [tilespmem:s3+$0x70];
	[tilespmem:v27+s19+$0x0] =	vst.idx.msk $0xffff, v38  }
0x9a: {  	s6 =	sand.u32 $0xC00, s15;
	s12 =	sand.u32 $0x70, s12;
	v38 =	vld [tilespmem:s3+$0x80];
	[tilespmem:v21+s19+$0x0] =	vst.idx.msk $0xffff, v39  }
0x9b: {  	s13 =	sor.u32 s7, s6;
	s7 =	sor.u32 s6, s12;
	v39 =	vld [tilespmem:s3+$0x90];
	[tilespmem:v24+s19+$0x0] =	vst.idx.msk $0xffff, v41  }
0x9c: {  	v47 =	vor.u32 s13, v0;
	v22 =	vor.u32 s13, v1;
	v41 =	vor.u32 s7, v0;
	v48 =	vld [tilespmem:s3+$0xA0];
	[tilespmem:v19+s19+$0x0] =	vst.idx.msk $0xffff, v40  }
0x9d: {  	v25 =	vor.u32 s13, v2;
	v23 =	vor.u32 s13, v3;
	v49 =	vor.u32 s7, v1;
	v40 =	vld [tilespmem:s3+$0xB0];
	[tilespmem:v20+s19+$0x0] =	vst.idx.msk $0xffff, v42  }
0x9e: {  	v28 =	vor.u32 s13, v4;
	v26 =	vor.u32 s13, v5;
	v50 =	vor.u32 s7, v2;
	v42 =	vld [tilespmem:s3+$0xC0];
	[tilespmem:v18+s19+$0x0] =	vst.idx.msk $0xffff, v43  }
0x9f: {  	v51 =	vor.u32 s7, v3;
	v29 =	vor.u32 s13, v6;
	v30 =	vor.u32 s13, v7;
	v43 =	vld [tilespmem:s3+$0xD0];
	[tilespmem:v17+s19+$0x0] =	vst.idx.msk $0xffff, v44  }
0xa0: {  	v52 =	vor.u32 s7, v4;
	v27 =	vor.u32 s13, v8;
	v21 =	vor.u32 s13, v9;
	v44 =	vld [tilespmem:s3+$0xE0];
	[tilespmem:v16+s19+$0x0] =	vst.idx.msk $0xffff, v45  }
0xa1: {  	v24 =	vor.u32 s13, v10;
	v19 =	vor.u32 s13, v11;
	v45 =	vld [tilespmem:s3+$0xF0];
	[tilespmem:v41+s19+$0x0] =	vst.idx.msk $0xffff, v46;
	v41 =	vor.u32 s7, v5  }
0xa2: {  	v20 =	vor.u32 s13, v12;
	v18 =	vor.u32 s13, v13;
	v46 =	vld [tilespmem:s3+$0xFFFFFF00];
	[tilespmem:v49+s19+$0x0] =	vst.idx.msk $0xffff, v31;
	v49 =	vor.u32 s7, v6  }
0xa3: {  	v17 =	vor.u32 s13, v14;
	v16 =	vor.u32 s13, v15;
	v31 =	vld [tilespmem:s3+$0xFFFFFF10];
	[tilespmem:v50+s19+$0x0] =	vst.idx.msk $0xffff, v32;
	v50 =	vor.u32 s7, v7  }
0xa4: {  	v32 =	vld [tilespmem:s3+$0xFFFFFF20];
	[tilespmem:v51+s19+$0x0] =	vst.idx.msk $0xffff, v33;
	v51 =	vor.u32 s7, v8  }
0xa5: {  	v33 =	vld [tilespmem:s3+$0xFFFFFF30];
	[tilespmem:v52+s19+$0x0] =	vst.idx.msk $0xffff, v34;
	v52 =	vor.u32 s7, v9  }
0xa6: {  	v34 =	vld [tilespmem:s3+$0xFFFFFF40];
	[tilespmem:v41+s19+$0x0] =	vst.idx.msk $0xffff, v35;
	v41 =	vor.u32 s7, v10  }
0xa7: {  	v35 =	vld [tilespmem:s3+$0xFFFFFF50];
	[tilespmem:v49+s19+$0x0] =	vst.idx.msk $0xffff, v36;
	v49 =	vor.u32 s7, v11  }
0xa8: {  	s0 =	sadd.s32 $0x2, s0;
	v36 =	vld [tilespmem:s3+$0xFFFFFF60];
	[tilespmem:v50+s19+$0x0] =	vst.idx.msk $0xffff, v37;
	v50 =	vor.u32 s7, v12  }
0xa9: {  	p2 =	slt.u32 s0, $0x1E;
	v37 =	vld [tilespmem:s3+$0xFFFFFF70];
	[tilespmem:v51+s19+$0x0] =	vst.idx.msk $0xffff, v38;
	v51 =	vor.u32 s7, v13  }
0xaa: {  	v38 =	vld [tilespmem:s3+$0xFFFFFF80];
	[tilespmem:v52+s19+$0x0] =	vst.idx.msk $0xffff, v39;
	v52 =	vor.u32 s7, v14  }
0xab: {  	v39 =	vld [tilespmem:s3+$0xFFFFFF90];
	[tilespmem:v41+s19+$0x0] =	vst.idx.msk $0xffff, v48;
	v48 =	vor.u32 s7, v15  }
0xac: {  	v41 =	vld [tilespmem:s3+$0xFFFFFFA0];
	[tilespmem:v49+s19+$0x0] =	vst.idx.msk $0xffff, v40  }
.Ltmp0:
0xad: {  	v40 =	vld [tilespmem:s3+$0xFFFFFFB0];
	[tilespmem:v50+s19+$0x0] =	vst.idx.msk $0xffff, v42;
	(pc) =	sbr.rel @p2 .LBB2_3-.Ltmp0, $4  }
0xae: {  	v42 =	vld [tilespmem:s3+$0xFFFFFFC0];
	[tilespmem:v51+s19+$0x0] =	vst.idx.msk $0xffff, v43  }
0xaf: {  	v43 =	vld [tilespmem:s3+$0xFFFFFFD0];
	[tilespmem:v52+s19+$0x0] =	vst.idx.msk $0xffff, v44  }
0xb0: {  	v44 =	vld [tilespmem:s3+$0xFFFFFFE0];
	[tilespmem:v48+s19+$0x0] =	vst.idx.msk $0xffff, v45  }
0xb1: {  	v45 =	vld [tilespmem:s3+$0xFFFFFFF0];
	[tilespmem:v47+s19+$0x0] =	vst.idx.msk $0xffff, v46;
	s3 =	sadd.s32 $0x200, s3  }
0xb2: {  	_ =	sdelay $0x3  }
0xb3: {  	[tilespmem:v22+s19+$0x0] =	vst.idx.msk $0xffff, v31  }
0xb4: {  	[tilespmem:v25+s19+$0x0] =	vst.idx.msk $0xffff, v32  }
0xb5: {  	[tilespmem:v23+s19+$0x0] =	vst.idx.msk $0xffff, v33  }
0xb6: {  	[tilespmem:v28+s19+$0x0] =	vst.idx.msk $0xffff, v34  }
0xb7: {  	[tilespmem:v26+s19+$0x0] =	vst.idx.msk $0xffff, v35  }
0xb8: {  	[tilespmem:v29+s19+$0x0] =	vst.idx.msk $0xffff, v36  }
0xb9: {  	[tilespmem:v30+s19+$0x0] =	vst.idx.msk $0xffff, v37  }
0xba: {  	[tilespmem:v27+s19+$0x0] =	vst.idx.msk $0xffff, v38  }
0xbb: {  	[tilespmem:v21+s19+$0x0] =	vst.idx.msk $0xffff, v39  }
0xbc: {  	[tilespmem:v24+s19+$0x0] =	vst.idx.msk $0xffff, v41  }
0xbd: {  	[tilespmem:v19+s19+$0x0] =	vst.idx.msk $0xffff, v40  }
0xbe: {  	s0 =	sshll.u32 s28, $0x13;
	[tilespmem:v20+s19+$0x0] =	vst.idx.msk $0xffff, v42  }
0xbf: {  	s0 =	sor.u32 s10, s0;
	[tilespmem:v18+s19+$0x0] =	vst.idx.msk $0xffff, v43  }
0xc0: {  	s0 =	sshrl.u32 s0, $0x3;
	[tilespmem:v17+s19+$0x0] =	vst.idx.msk $0xffff, v44  }
0xc1: {  	s30 =	sor.u32 $0x1, s31;
	s3 =	sadd.s32 s1, s0;
	[tilespmem:v16+s19+$0x0] =	vst.idx.msk $0xffff, v45  }
0xc2: {  	[hbm4b:s3+s2] =	stream.linear.scatter [tilespmem:s19], [sflag:$0x3], $0x1000, $0x38;
	[tilespmem:$0x8400] =	vst v63  }
0xc3: {  	p2 =	sgt.u32 s30, $0xC6;
	s0 =	sadd.s32 s0, s11  }
0xc4: {  	[hbm4b:s0+s2] =	stream.linear.scatter [tilespmem:s20], [sflag:$0x3], $0x1000, $0x38;
	[tilespmem:$0x8400] =	vst v63  }
0xc5: {  	s0 =	simm.s32 @!p2 $0x5  }
0xc6: {  	_ =	swait.ge @!p2 [sflag:s0], $0x200  }
0xc7: {  	s6 =	simm.s32 @!p2 $0x400;
	[sflag:s0] =	ssyncset.done @!p2 $0x0  }
0xc8: {  	s3 =	simm.s32 @!p2 $0x0;
	[sflag:s0] =	ssyncadd.s32 @!p2 $0xFFFFFE00;
	s0 =	simm.s32 @!p2 $0x200  }
0xc9: {  	[tilespmem:s6], [sflag:$0x1] =	stream.indirect.gather @!p2 [hbm4b:s4+s0], $0x10, s3, s0, $0xb8;
	[tilespmem:$0x8400] =	vst v63  }
0xca: {  	s0 =	sadd.s32 @!p0 s9, s29;
	_ =	swait.ge [sflag:s21], $0x2000  }
0xcb: {  	s3 =	simm.s32 @!p0 $0x0;
	s0 =	sshrl.u32 @!p0 s0, $0x3;
	[sflag:s21] =	ssyncset.done $0x0  }
0xcc: {  	s6 =	simm.s32 @!p0 $0x200;
	s0 =	sadd.s32 @!p0 s5, s0;
	[sflag:s21] =	ssyncadd.s32 $0xFFFFE000  }
0xcd: {  	[tilespmem:s6], [sflag:$0x6] =	stream.linear.gather @!p0 [hbm4b:s0+s3], $0x200, $0x38;
	[tilespmem:$0x8400] =	vst v63  }
0xce: {  	_ =	swait.ge @p1 [sflag:s25], $0x1000  }
0xcf: {  	[sflag:s25] =	ssyncset.done @p1 $0x0  }
0xd0: {  	[sflag:s25] =	ssyncadd.s32 @p1 $0xFFFFF000  }
0xd1: {  	_ =	swait.ge @p1 [sflag:s25], $0x1000  }
0xd2: {  	[sflag:s25] =	ssyncset.done @p1 $0x0  }
0xd3: {  	s13 =	simm.s32 $0x2500;
	[sflag:s25] =	ssyncadd.s32 @p1 $0xFFFFF000  }
0xd4: {  	v16 =	vld [tilespmem:s13+$0x0]  }
0xd5: {  	v17 =	vld [tilespmem:s13+$0x10]  }
0xd6: {  	v18 =	vld [tilespmem:s13+$0x20]  }
0xd7: {  	v19 =	vld [tilespmem:s13+$0x30]  }
0xd8: {  	v20 =	vld [tilespmem:s13+$0x40]  }
0xd9: {  	v21 =	vld [tilespmem:s13+$0x50]  }
0xda: {  	v22 =	vld [tilespmem:s13+$0x60]  }
0xdb: {  	v23 =	vld [tilespmem:s13+$0x70]  }
0xdc: {  	v24 =	vld [tilespmem:s13+$0x80]  }
0xdd: {  	v25 =	vld [tilespmem:s13+$0x90]  }
0xde: {  	v26 =	vld [tilespmem:s13+$0xA0]  }
0xdf: {  	v28 =	vld [tilespmem:s13+$0xB0]  }
0xe0: {  	v30 =	vld [tilespmem:s13+$0xC0]  }
0xe1: {  	v59 =	vld [tilespmem:s13+$0xD0]  }
0xe2: {  	v61 =	vld [tilespmem:s13+$0xE0]  }
0xe3: {  	v63 =	vld [tilespmem:s13+$0xF0]  }
0xe4: {  	v46 =	vld [tilespmem:s13+$0xFFFFFF00]  }
0xe5: {  	v31 =	vld [tilespmem:s13+$0xFFFFFF10]  }
0xe6: {  	v32 =	vld [tilespmem:s13+$0xFFFFFF20]  }
0xe7: {  	v33 =	vld [tilespmem:s13+$0xFFFFFF30]  }
0xe8: {  	v34 =	vld [tilespmem:s13+$0xFFFFFF40]  }
0xe9: {  	v35 =	vld [tilespmem:s13+$0xFFFFFF50]  }
0xea: {  	s15 =	simm.s32 $0x10;
	s29 =	simm.s32 $0x0;
	v36 =	vld [tilespmem:s13+$0xFFFFFF60]  }
0xeb: {  	s31 =	sand.u32 $0xC00, s29;
	s3 =	sand.u32 $0x70, s15;
	v37 =	vld [tilespmem:s13+$0xFFFFFF70]  }
0xec: {  	s7 =	sand.u32 $0x60, s29;
	s3 =	sor.u32 s31, s3;
	v38 =	vld [tilespmem:s13+$0xFFFFFF80]  }
0xed: {  	s6 =	sor.u32 s7, s31;
	v27 =	vor.u32 s3, v0;
	v39 =	vld [tilespmem:s13+$0xFFFFFF90]  }
0xee: {  	v47 =	vor.u32 s6, v0;
	v41 =	vld [tilespmem:s13+$0xFFFFFFA0]  }
0xef: {  	v29 =	vor.u32 s3, v1;
	v40 =	vld [tilespmem:s13+$0xFFFFFFB0]  }
0xf0: {  	v58 =	vor.u32 s3, v2;
	v42 =	vld [tilespmem:s13+$0xFFFFFFC0]  }
0xf1: {  	v60 =	vor.u32 s3, v3;
	v43 =	vld [tilespmem:s13+$0xFFFFFFD0]  }
0xf2: {  	v62 =	vor.u32 s3, v4;
	v44 =	vld [tilespmem:s13+$0xFFFFFFE0];
	[tilespmem:v27+s22+$0x0] =	vst.idx.msk $0xffff, v16  }
0xf3: {  	v45 =	vld [tilespmem:s13+$0xFFFFFFF0];
	v16 =	vor.u32 s3, v5;
	[tilespmem:v47+s22+$0x0] =	vst.idx.msk $0xffff, v46  }
0xf4: {  	[tilespmem:v29+s22+$0x0] =	vst.idx.msk $0xffff, v17;
	v17 =	vor.u32 s3, v6  }
0xf5: {  	[tilespmem:v58+s22+$0x0] =	vst.idx.msk $0xffff, v18;
	v18 =	vor.u32 s3, v7  }
0xf6: {  	[tilespmem:v60+s22+$0x0] =	vst.idx.msk $0xffff, v19;
	v19 =	vor.u32 s3, v8  }
0xf7: {  	[tilespmem:v62+s22+$0x0] =	vst.idx.msk $0xffff, v20;
	v20 =	vor.u32 s3, v9  }
0xf8: {  	[tilespmem:v16+s22+$0x0] =	vst.idx.msk $0xffff, v21;
	v16 =	vor.u32 s3, v10  }
0xf9: {  	[tilespmem:v17+s22+$0x0] =	vst.idx.msk $0xffff, v22;
	v17 =	vor.u32 s3, v11  }
0xfa: {  	[tilespmem:v18+s22+$0x0] =	vst.idx.msk $0xffff, v23;
	v18 =	vor.u32 s3, v12  }
0xfb: {  	[tilespmem:v19+s22+$0x0] =	vst.idx.msk $0xffff, v24;
	v19 =	vor.u32 s3, v13  }
0xfc: {  	[tilespmem:v20+s22+$0x0] =	vst.idx.msk $0xffff, v25;
	v20 =	vor.u32 s3, v14  }
0xfd: {  	[tilespmem:v16+s22+$0x0] =	vst.idx.msk $0xffff, v26;
	v16 =	vor.u32 s3, v15  }
0xfe: {  	v27 =	vor.u32 s6, v8;
	v29 =	vor.u32 s6, v6;
	v22 =	vor.u32 s6, v1;
	[tilespmem:v17+s22+$0x0] =	vst.idx.msk $0xffff, v28  }
0xff: {  	v21 =	vor.u32 s6, v9;
	v23 =	vor.u32 s6, v3;
	v25 =	vor.u32 s6, v2;
	[tilespmem:v18+s22+$0x0] =	vst.idx.msk $0xffff, v30  }
0x100: {  	v24 =	vor.u32 s6, v10;
	v26 =	vor.u32 s6, v5;
	v28 =	vor.u32 s6, v4;
	[tilespmem:v19+s22+$0x0] =	vst.idx.msk $0xffff, v59  }
0x101: {  	v17 =	vor.u32 s6, v14;
	v30 =	vor.u32 s6, v7;
	v18 =	vor.u32 s6, v13;
	[tilespmem:v20+s22+$0x0] =	vst.idx.msk $0xffff, v61  }
0x102: {  	s0 =	simm.s32 $0x0;
	s15 =	simm.s32 $0x0;
	s3 =	simm.s32 $0x2700;
	v19 =	vor.u32 s6, v11;
	v20 =	vor.u32 s6, v12;
	[tilespmem:v16+s22+$0x0] =	vst.idx.msk $0xffff, v63;
	v16 =	vor.u32 s6, v15  }
.LBB2_5:
0x103: {  	v46 =	vld [tilespmem:s3+$0x0];
	[tilespmem:v22+s22+$0x0] =	vst.idx.msk $0xffff, v31  }
0x104: {  	v31 =	vld [tilespmem:s3+$0x10];
	[tilespmem:v25+s22+$0x0] =	vst.idx.msk $0xffff, v32  }
0x105: {  	v32 =	vld [tilespmem:s3+$0x20];
	[tilespmem:v23+s22+$0x0] =	vst.idx.msk $0xffff, v33  }
0x106: {  	v33 =	vld [tilespmem:s3+$0x30];
	[tilespmem:v28+s22+$0x0] =	vst.idx.msk $0xffff, v34  }
0x107: {  	v34 =	vld [tilespmem:s3+$0x40];
	[tilespmem:v26+s22+$0x0] =	vst.idx.msk $0xffff, v35  }
0x108: {  	v35 =	vld [tilespmem:s3+$0x50];
	[tilespmem:v29+s22+$0x0] =	vst.idx.msk $0xffff, v36  }
0x109: {  	s29 =	sadd.s32 $0x20, s29;
	v36 =	vld [tilespmem:s3+$0x60];
	[tilespmem:v30+s22+$0x0] =	vst.idx.msk $0xffff, v37  }
0x10a: {  	s15 =	sadd.s32 $0x100, s15;
	s6 =	sand.u32 $0x60, s29;
	s7 =	sadd.s32 $0x10, s29;
	v37 =	vld [tilespmem:s3+$0x70];
	[tilespmem:v27+s22+$0x0] =	vst.idx.msk $0xffff, v38  }
0x10b: {  	s12 =	sand.u32 $0xC00, s15;
	s7 =	sand.u32 $0x70, s7;
	v38 =	vld [tilespmem:s3+$0x80];
	[tilespmem:v21+s22+$0x0] =	vst.idx.msk $0xffff, v39  }
0x10c: {  	s6 =	sor.u32 s6, s12;
	s7 =	sor.u32 s12, s7;
	v39 =	vld [tilespmem:s3+$0x90];
	[tilespmem:v24+s22+$0x0] =	vst.idx.msk $0xffff, v41  }
0x10d: {  	v47 =	vor.u32 s6, v0;
	v22 =	vor.u32 s6, v1;
	v41 =	vor.u32 s7, v0;
	v48 =	vld [tilespmem:s3+$0xA0];
	[tilespmem:v19+s22+$0x0] =	vst.idx.msk $0xffff, v40  }
0x10e: {  	v25 =	vor.u32 s6, v2;
	v23 =	vor.u32 s6, v3;
	v49 =	vor.u32 s7, v1;
	v40 =	vld [tilespmem:s3+$0xB0];
	[tilespmem:v20+s22+$0x0] =	vst.idx.msk $0xffff, v42  }
0x10f: {  	v28 =	vor.u32 s6, v4;
	v26 =	vor.u32 s6, v5;
	v50 =	vor.u32 s7, v2;
	v42 =	vld [tilespmem:s3+$0xC0];
	[tilespmem:v18+s22+$0x0] =	vst.idx.msk $0xffff, v43  }
0x110: {  	v51 =	vor.u32 s7, v3;
	v29 =	vor.u32 s6, v6;
	v30 =	vor.u32 s6, v7;
	v43 =	vld [tilespmem:s3+$0xD0];
	[tilespmem:v17+s22+$0x0] =	vst.idx.msk $0xffff, v44  }
0x111: {  	v52 =	vor.u32 s7, v4;
	v27 =	vor.u32 s6, v8;
	v21 =	vor.u32 s6, v9;
	v44 =	vld [tilespmem:s3+$0xE0];
	[tilespmem:v16+s22+$0x0] =	vst.idx.msk $0xffff, v45  }
0x112: {  	v24 =	vor.u32 s6, v10;
	v19 =	vor.u32 s6, v11;
	v45 =	vld [tilespmem:s3+$0xF0];
	[tilespmem:v41+s22+$0x0] =	vst.idx.msk $0xffff, v46;
	v41 =	vor.u32 s7, v5  }
0x113: {  	v20 =	vor.u32 s6, v12;
	v18 =	vor.u32 s6, v13;
	v46 =	vld [tilespmem:s3+$0xFFFFFF00];
	[tilespmem:v49+s22+$0x0] =	vst.idx.msk $0xffff, v31;
	v49 =	vor.u32 s7, v6  }
0x114: {  	v17 =	vor.u32 s6, v14;
	v16 =	vor.u32 s6, v15;
	v31 =	vld [tilespmem:s3+$0xFFFFFF10];
	[tilespmem:v50+s22+$0x0] =	vst.idx.msk $0xffff, v32;
	v50 =	vor.u32 s7, v7  }
0x115: {  	v32 =	vld [tilespmem:s3+$0xFFFFFF20];
	[tilespmem:v51+s22+$0x0] =	vst.idx.msk $0xffff, v33;
	v51 =	vor.u32 s7, v8  }
0x116: {  	v33 =	vld [tilespmem:s3+$0xFFFFFF30];
	[tilespmem:v52+s22+$0x0] =	vst.idx.msk $0xffff, v34;
	v52 =	vor.u32 s7, v9  }
0x117: {  	v34 =	vld [tilespmem:s3+$0xFFFFFF40];
	[tilespmem:v41+s22+$0x0] =	vst.idx.msk $0xffff, v35;
	v41 =	vor.u32 s7, v10  }
0x118: {  	v35 =	vld [tilespmem:s3+$0xFFFFFF50];
	[tilespmem:v49+s22+$0x0] =	vst.idx.msk $0xffff, v36;
	v49 =	vor.u32 s7, v11  }
0x119: {  	s0 =	sadd.s32 $0x2, s0;
	v36 =	vld [tilespmem:s3+$0xFFFFFF60];
	[tilespmem:v50+s22+$0x0] =	vst.idx.msk $0xffff, v37;
	v50 =	vor.u32 s7, v12  }
0x11a: {  	p0 =	slt.u32 s0, $0x1E;
	v37 =	vld [tilespmem:s3+$0xFFFFFF70];
	[tilespmem:v51+s22+$0x0] =	vst.idx.msk $0xffff, v38;
	v51 =	vor.u32 s7, v13  }
0x11b: {  	v38 =	vld [tilespmem:s3+$0xFFFFFF80];
	[tilespmem:v52+s22+$0x0] =	vst.idx.msk $0xffff, v39;
	v52 =	vor.u32 s7, v14  }
0x11c: {  	v39 =	vld [tilespmem:s3+$0xFFFFFF90];
	[tilespmem:v41+s22+$0x0] =	vst.idx.msk $0xffff, v48;
	v48 =	vor.u32 s7, v15  }
0x11d: {  	v41 =	vld [tilespmem:s3+$0xFFFFFFA0];
	[tilespmem:v49+s22+$0x0] =	vst.idx.msk $0xffff, v40  }
.Ltmp1:
0x11e: {  	v40 =	vld [tilespmem:s3+$0xFFFFFFB0];
	[tilespmem:v50+s22+$0x0] =	vst.idx.msk $0xffff, v42;
	(pc) =	sbr.rel @p0 .LBB2_5-.Ltmp1, $4  }
0x11f: {  	v42 =	vld [tilespmem:s3+$0xFFFFFFC0];
	[tilespmem:v51+s22+$0x0] =	vst.idx.msk $0xffff, v43  }
0x120: {  	v43 =	vld [tilespmem:s3+$0xFFFFFFD0];
	[tilespmem:v52+s22+$0x0] =	vst.idx.msk $0xffff, v44  }
0x121: {  	v44 =	vld [tilespmem:s3+$0xFFFFFFE0];
	[tilespmem:v48+s22+$0x0] =	vst.idx.msk $0xffff, v45  }
0x122: {  	v45 =	vld [tilespmem:s3+$0xFFFFFFF0];
	[tilespmem:v47+s22+$0x0] =	vst.idx.msk $0xffff, v46;
	s3 =	sadd.s32 $0x200, s3  }
0x123: {  	_ =	sdelay $0x3  }
0x124: {  	[tilespmem:v22+s22+$0x0] =	vst.idx.msk $0xffff, v31  }
0x125: {  	[tilespmem:v25+s22+$0x0] =	vst.idx.msk $0xffff, v32  }
0x126: {  	[tilespmem:v23+s22+$0x0] =	vst.idx.msk $0xffff, v33  }
0x127: {  	[tilespmem:v28+s22+$0x0] =	vst.idx.msk $0xffff, v34  }
0x128: {  	[tilespmem:v26+s22+$0x0] =	vst.idx.msk $0xffff, v35  }
0x129: {  	[tilespmem:v29+s22+$0x0] =	vst.idx.msk $0xffff, v36  }
0x12a: {  	[tilespmem:v30+s22+$0x0] =	vst.idx.msk $0xffff, v37  }
0x12b: {  	[tilespmem:v27+s22+$0x0] =	vst.idx.msk $0xffff, v38  }
0x12c: {  	[tilespmem:v21+s22+$0x0] =	vst.idx.msk $0xffff, v39  }
0x12d: {  	[tilespmem:v24+s22+$0x0] =	vst.idx.msk $0xffff, v41  }
0x12e: {  	[tilespmem:v19+s22+$0x0] =	vst.idx.msk $0xffff, v40  }
0x12f: {  	s0 =	sshll.u32 s30, $0x12;
	s28 =	sadd.s32 $0x1, s28;
	[tilespmem:v20+s22+$0x0] =	vst.idx.msk $0xffff, v42  }
0x130: {  	s0 =	sor.u32 s10, s0;
	p0 =	sne.s32 s28, $0x64;
	[tilespmem:v18+s22+$0x0] =	vst.idx.msk $0xffff, v43  }
.Ltmp2:
0x131: {  	s0 =	sshrl.u32 s0, $0x3;
	[tilespmem:v17+s22+$0x0] =	vst.idx.msk $0xffff, v44;
	(pc) =	sbr.rel @p0 .LBB2_2-.Ltmp2, $4  }
0x132: {  	s3 =	sadd.s32 s1, s0;
	[tilespmem:v16+s22+$0x0] =	vst.idx.msk $0xffff, v45  }
0x133: {  	[hbm4b:s3+s2] =	stream.linear.scatter [tilespmem:s22], [sflag:$0x4], $0x1000, $0x38;
	[tilespmem:$0x8400] =	vst v63  }
0x134: {  	s0 =	sadd.s32 s0, s11  }
0x135: {  	[hbm4b:s0+s2] =	stream.linear.scatter [tilespmem:s23], [sflag:$0x4], $0x1000, $0x38;
	[tilespmem:$0x8400] =	vst v63  }
0x136: {  	_ =	swait.ge [sflag:s24], $0x1000  }
0x137: {  	[sflag:s24] =	ssyncset.done $0x0  }
0x138: {  	[sflag:s24] =	ssyncadd.s32 $0xFFFFF000  }
0x139: {  	_ =	swait.ge [sflag:s24], $0x1000  }
0x13a: {  	[sflag:s24] =	ssyncset.done $0x0  }
0x13b: {  	[sflag:s24] =	ssyncadd.s32 $0xFFFFF000  }
0x13c: {  	_ =	swait.ge [sflag:s25], $0x1000  }
0x13d: {  	[sflag:s25] =	ssyncset.done $0x0  }
0x13e: {  	[sflag:s25] =	ssyncadd.s32 $0xFFFFF000  }
0x13f: {  	_ =	swait.ge [sflag:s25], $0x1000  }
0x140: {  	s26 =	sadd.s32 $0x1, s26;
	s0 =	rddreg [dreg:$0x5]  }
0x141: {  	p0 =	sne.s32 s26, s0  }
.Ltmp3:
0x142: {  	_ = 	snop;
	(pc) =	sbr.rel @p0 .LBB2_1-.Ltmp3, $3  }
0x143: {  	_ =	sdelay $0x1  }
0x144: {  	[sflag:s25] =	ssyncset.done $0x0  }
0x145: {  	[sflag:s25] =	ssyncadd.s32 $0xFFFFF000  }
0x146: {  	_ =	sfence.sel $0x180000  }
0x147: {  	[bflag:$0x0] =	sbarrier.arrive $0xFFFF  }
0x148: {  	_ =	strace $0x90000047  }
0x149: {  	s0 =	stileid.u32;
	[bflag:$0x2] =	sbarrier.arrive $0xFFFF  }
0x14a: {  	p0 =	sne.s32 s0, $0x0;
	s0 =	rddreg [dreg:$0x2]  }
0x14b: {  	s0 =	sadd.s32 @!p0 $0x100000, s0  }
0x14c: {  	[sflag:s0] =	ssyncadd.tile.s32 @!p0 $0x1;
	_ =	shalt  }
.Lfunc_end2:
_tile_overlayer_lowered:
.L_overlay_start_2:
0x14d: {  	(tag) =	ssettag $0x2  }
0x14e: {  	s0 =	rddreg [dreg:$0x0];
	s2 =	stileid.u32  }
0x14f: {  	s1 =	rddreg [dreg:$0x1];
	p0 =	sne.s32 s2, $0x0  }
0x150: {  	s3 =	rddreg [dreg:$0x2];
	[bflag:$0x3] =	sbarrier.arrive $0xFFFF;
	s2 =	simm.s32 @!p0 $0x1C07  }
0x151: {  	[timem:s3], [sflag:s2] =	dma.local @!p0 [hbm:s0], s1  }
0x152: {  	s0 =	simm.s32 @!p0 $0x7  }
0x153: {  	_ =	swait.ge @!p0 [sflag:s0], s1  }
0x154: {  	s1 =	ssub.s32 @!p0 $0x0, s1;
	[sflag:s0] =	ssyncset.done @!p0 $0x0  }
0x155: {  	[sflag:s0] =	ssyncadd.s32 @!p0 s1  }
0x156: {  	[bflag:$0x3] =	sbarrier.arrive $0xFFFF  }
0x157: {  	_ =	shalt  }

</sc_bundles>
